<compile_context>
chip_gen: v7x
topology: tpu7x:2x2x1
jax: 0.10.2.dev20260603
libtpu: 0.0.44.dev20260713+nightly
codegen_flags: <defaults>
</compile_context>

<pallas_src>
import functools

import jax
import jax.numpy as jnp
from jax import lax
from jax.experimental import pallas as pl
from jax.experimental.pallas import tpu as pltpu
from jax.experimental.pallas import tpu_sc as plsc

N_SRC = 10000
N_DST = 10000
E = 320000
H = 128

NC = 2
NS = 16
NW = NC * NS
NP = 10240
EP = 327680
EW = EP // NW
GRP = 128
G = EW // GRP
RPT = NP // NS

_mesh = plsc.VectorSubcoreMesh(core_axis_name="c", subcore_axis_name="s")


@functools.partial(
    pl.kernel,
    out_type=jax.ShapeDtypeStruct((NC, 2, NP), jnp.float32),
    mesh=_mesh,
    scratch_types=[
        pltpu.VMEM((G, GRP), jnp.int32),
        pltpu.VMEM((G, GRP), jnp.int32),
        pltpu.VMEM((GRP,), jnp.float32),
        pltpu.VMEM_SHARED((NP,), jnp.float32),
        pltpu.VMEM_SHARED((NP,), jnp.float32),
    ],
)
def _sc_degrees(src_hbm, dst_hbm, zeros_hbm, deg_out, sidx, didx, ones_v,
                degs_sh, degd_sh):
    c = lax.axis_index("c")
    s = lax.axis_index("s")
    wid = s * NC + c
    pltpu.sync_copy(src_hbm.at[wid], sidx)
    pltpu.sync_copy(dst_hbm.at[wid], didx)
    for i in range(GRP // 16):
        ones_v[pl.ds(i * 16, 16)] = jnp.ones((16,), jnp.float32)
    pltpu.sync_copy(zeros_hbm.at[pl.ds(s * RPT, RPT)],
                    degs_sh.at[pl.ds(s * RPT, RPT)])
    pltpu.sync_copy(zeros_hbm.at[pl.ds(s * RPT, RPT)],
                    degd_sh.at[pl.ds(s * RPT, RPT)])
    plsc.subcore_barrier()

    def body(g, carry):
        pltpu.sync_copy(ones_v, degs_sh.at[sidx.at[g]], add=True)
        pltpu.sync_copy(ones_v, degd_sh.at[didx.at[g]], add=True)
        return carry

    lax.fori_loop(0, G, body, 0)
    plsc.subcore_barrier()
    pltpu.sync_copy(degs_sh.at[pl.ds(s * RPT, RPT)],
                    deg_out.at[c, 0, pl.ds(s * RPT, RPT)])
    pltpu.sync_copy(degd_sh.at[pl.ds(s * RPT, RPT)],
                    deg_out.at[c, 1, pl.ds(s * RPT, RPT)])


RB = 2
IB = 8
NG0 = 152
NG1 = 8
TOTG = NS * (NG0 + NG1)


@functools.partial(
    pl.kernel,
    out_type=jax.ShapeDtypeStruct((NC, NP, H), jnp.float32),
    mesh=_mesh,
    scratch_types=[
        pltpu.VMEM((IB, 2, GRP), jnp.int32),
        pltpu.VMEM((RB, GRP, H), jnp.float32),
        pltpu.SemaphoreType.DMA((IB,)),
        pltpu.SemaphoreType.DMA((RB,)),
        pltpu.SemaphoreType.DMA((RB,)),
        pltpu.VMEM_SHARED((NP, H), jnp.float32),
    ],
)
def _sc_gather(featn_hbm, idx_hbm, zeros_hbm, agg_out, ichunk, rows_v,
               isem, gsem, ssem, agg_sh):
    c = lax.axis_index("c")
    s = lax.axis_index("s")
    ng = jnp.where(c == 0, NG0, NG1)
    rowbase = jnp.where(c == 0, s * NG0, NS * NG0 + s * NG1)
    pltpu.sync_copy(idx_hbm.at[pl.ds(rowbase, IB)], ichunk)
    pltpu.sync_copy(zeros_hbm, agg_sh.at[pl.ds(s * RPT, RPT)])
    plsc.subcore_barrier()

    for b in range(2):
        pltpu.async_copy(featn_hbm.at[ichunk.at[b, 0]], rows_v.at[b],
                         gsem.at[b])

    def step(g, carry):
        b = lax.rem(g, RB)
        sl = lax.rem(g, IB)
        pltpu.make_async_copy(featn_hbm.at[ichunk.at[sl, 0]], rows_v.at[b],
                              gsem.at[b]).wait()
        pltpu.async_copy(rows_v.at[b], agg_sh.at[ichunk.at[sl, 1]],
                         ssem.at[b], add=True)

        gn = g + 2
        sn = lax.rem(gn, IB)

        @pl.when(gn < ng)
        def _():
            pltpu.make_async_copy(rows_v.at[b], agg_sh.at[ichunk.at[sl, 1]],
                                  ssem.at[b]).wait()

            @pl.when(gn >= IB)
            def _():
                pltpu.make_async_copy(idx_hbm.at[rowbase + gn],
                                      ichunk.at[sn], isem.at[sn]).wait()

            pltpu.async_copy(featn_hbm.at[ichunk.at[sn, 0]], rows_v.at[b],
                             gsem.at[b])

            gp = g + IB

            @pl.when(gp < ng)
            def _():
                pltpu.async_copy(idx_hbm.at[rowbase + gp],
                                 ichunk.at[sl], isem.at[sl])

        return carry

    lax.fori_loop(0, ng, step, 0)

    def drain(gg, carry):
        bb = lax.rem(gg, RB)
        pltpu.make_async_copy(rows_v.at[bb],
                              agg_sh.at[ichunk.at[lax.rem(gg, IB), 1]],
                              ssem.at[bb]).wait()
        return carry

    lax.fori_loop(ng - RB, ng, drain, 0)
    plsc.subcore_barrier()
    pltpu.sync_copy(agg_sh.at[pl.ds(s * RPT, RPT)],
                    agg_out.at[c, pl.ds(s * RPT, RPT)])


def _prescale_body(feat_ref, degs_ref, degd_ref, featn_ref, normd_ref):
    ns = lax.rsqrt(jnp.maximum(degs_ref[...], 1.0))
    featn_ref[...] = feat_ref[...] * ns
    normd_ref[...] = lax.rsqrt(jnp.maximum(degd_ref[...], 1.0))


_prescale = pl.pallas_call(
    _prescale_body,
    out_shape=(
        jax.ShapeDtypeStruct((NP, H), jnp.float32),
        jax.ShapeDtypeStruct((NP, 1), jnp.float32),
    ),
)

BD = 1024


def _tail_body(aggp_ref, normd_ref, t0_ref, Wc_ref, bc_ref, W1_ref, b1_ref,
               Wa_ref, Wo_ref, bo_ref, wl1_ref, bl1_ref, wlo_ref, blo_ref,
               out_ref):
    agg = (aggp_ref[0] + aggp_ref[1]) * normd_ref[...]
    z1 = jnp.dot(agg, Wc_ref[...], preferred_element_type=jnp.float32) + bc_ref[...]
    s1 = jnp.where(z1 >= 0, z1, 0.01 * z1)
    t1 = jnp.tanh(jnp.dot(s1, W1_ref[...], preferred_element_type=jnp.float32)
                  + b1_ref[...])
    t2 = jnp.tanh(t0_ref[...] * wl1_ref[...] + bl1_ref[...])
    e1 = jnp.sum(t1 * Wa_ref[...], axis=1, keepdims=True)
    e2 = jnp.sum(t2 * Wa_ref[...], axis=1, keepdims=True)
    m = jnp.maximum(e1, e2)
    a1 = jnp.exp(e1 - m)
    a2 = jnp.exp(e2 - m)
    o1 = jnp.sum(s1 * Wo_ref[...], axis=1, keepdims=True)
    o2 = t0_ref[...] * wlo_ref[...] + blo_ref[...]
    out_ref[...] = (a1 * o1 + a2 * o2) / (a1 + a2) + bo_ref[...]


_tail = pl.pallas_call(
    _tail_body,
    grid=(NP // BD,),
    in_specs=[
        pl.BlockSpec((NC, BD, H), lambda i: (0, i, 0)),
        pl.BlockSpec((BD, 1), lambda i: (i, 0)),
        pl.BlockSpec((BD, 1), lambda i: (i, 0)),
        pl.BlockSpec((H, H), lambda i: (0, 0)),
        pl.BlockSpec((1, H), lambda i: (0, 0)),
        pl.BlockSpec((H, 2 * H), lambda i: (0, 0)),
        pl.BlockSpec((1, 2 * H), lambda i: (0, 0)),
        pl.BlockSpec((1, 2 * H), lambda i: (0, 0)),
        pl.BlockSpec((1, H), lambda i: (0, 0)),
        pl.BlockSpec((1, 1), lambda i: (0, 0)),
        pl.BlockSpec((1, 2 * H), lambda i: (0, 0)),
        pl.BlockSpec((1, 2 * H), lambda i: (0, 0)),
        pl.BlockSpec((1, 1), lambda i: (0, 0)),
        pl.BlockSpec((1, 1), lambda i: (0, 0)),
    ],
    out_specs=pl.BlockSpec((BD, 1), lambda i: (i, 0)),
    out_shape=jax.ShapeDtypeStruct((NP, 1), jnp.float32),
)


def kernel(x, edge_index, dst_t0, W_conv, b_conv, W_lin, b_lin, W1, b1, Wa,
           ba, Wo, bo):
    del ba
    feat = x[:, 0, 0, :]
    feat_pad = jnp.pad(feat, ((0, NP - N_SRC), (0, 0)))
    pad_idx = jnp.full((EP - E,), NP - 1, jnp.int32)
    srcp = jnp.concatenate([edge_index[0], pad_idx])
    dstp = jnp.concatenate([edge_index[1], pad_idx])
    src_p = srcp.reshape(NW, G, GRP)
    dst_p = dstp.reshape(NW, G, GRP)
    idx_all = jnp.stack([srcp, dstp], 0).reshape(2, TOTG, GRP).transpose(1, 0, 2)

    deg_parts = _sc_degrees(src_p, dst_p, jnp.zeros((NP,), jnp.float32))
    degs = (deg_parts[0, 0] + deg_parts[1, 0]).reshape(NP, 1)
    degd = (deg_parts[0, 1] + deg_parts[1, 1]).reshape(NP, 1)

    featn, normd = _prescale(feat_pad, degs, degd)

    agg_parts = _sc_gather(featn, idx_all,
                           jnp.zeros((RPT, H), jnp.float32))

    t0_pad = jnp.pad(dst_t0, ((0, NP - N_DST), (0, 0)))
    wl1 = (W_lin @ W1).reshape(1, 2 * H)
    bl1 = (b_lin.reshape(1, H) @ W1 + b1).reshape(1, 2 * H)
    wlo = (W_lin @ Wo).reshape(1, 1)
    blo = (b_lin.reshape(1, H) @ Wo).reshape(1, 1)
    out = _tail(agg_parts, normd, t0_pad,
                W_conv, b_conv.reshape(1, H),
                W1, b1.reshape(1, 2 * H),
                Wa.reshape(1, 2 * H),
                Wo.reshape(1, H), bo.reshape(1, 1),
                wl1, bl1, wlo, blo)
    return out[:N_DST]

# --- scband reference (transcript-rebuilt; emitter-appended) ---
"""Pipeline reference for scband-graph-decoder-85023172592638 (READ-ONLY COPY).

The authoritative reference and input builder live on the scoring server;
editing this copy changes nothing except your own understanding.
"""

import jax, jax.numpy as jnp
import numpy as np

N_SRC = 10000
N_DST = 10000
E = 320000
H = 128


def setup_inputs(seed: int = 0) -> dict:
    key = jax.random.key(seed)
    ks = jax.random.split(key, 12)
    x = jax.random.normal(ks[0], (N_SRC, 1, 1, H), dtype=jnp.float32)
    edge_index = jax.random.randint(ks[1], (2, E), 0, N_SRC, dtype=jnp.int32)
    dst_t0 = jax.random.normal(ks[2], (N_DST, 1), dtype=jnp.float32)
    # GraphConv weight (hidden_size -> hidden_size)
    W_conv = jax.random.normal(ks[3], (H, H), dtype=jnp.float32) * 0.05
    b_conv = jnp.zeros((H,), dtype=jnp.float32)
    # per-node-type Linear(1 -> hidden_size)
    W_lin = jax.random.normal(ks[4], (1, H), dtype=jnp.float32) * 0.05
    b_lin = jnp.zeros((H,), dtype=jnp.float32)
    # AttentionReadout params: score MLP (H -> 2H -> 1) and output head (H -> 1)
    W1 = jax.random.normal(ks[5], (H, 2 * H), dtype=jnp.float32) * 0.05
    b1 = jnp.zeros((2 * H,), dtype=jnp.float32)
    Wa = jax.random.normal(ks[6], (2 * H, 1), dtype=jnp.float32) * 0.05
    ba = jnp.zeros((1,), dtype=jnp.float32)
    Wo = jax.random.normal(ks[7], (H, 1), dtype=jnp.float32) * 0.05
    bo = jnp.zeros((1,), dtype=jnp.float32)
    return {
        "x": x, "edge_index": edge_index, "dst_t0": dst_t0,
        "W_conv": W_conv, "b_conv": b_conv,
        "W_lin": W_lin, "b_lin": b_lin,
        "W1": W1, "b1": b1, "Wa": Wa, "ba": ba, "Wo": Wo, "bo": bo,
    }


def reference(x, edge_index, dst_t0, W_conv, b_conv, W_lin, b_lin, W1, b1, Wa, ba, Wo, bo):
    src = edge_index[0]
    dst = edge_index[1]
    # x[:, t, idx] with t=0, idx=0 -> healpix node features [N_SRC, H]
    feat = x[:, 0, 0, :]
    # DGL GraphConv with norm='both' (symmetric degree normalization)
    deg_src = jnp.zeros((N_SRC,), dtype=jnp.float32).at[src].add(1.0)
    deg_dst = jnp.zeros((N_DST,), dtype=jnp.float32).at[dst].add(1.0)
    norm_src = 1.0 / jnp.sqrt(jnp.maximum(deg_src, 1.0))
    norm_dst = 1.0 / jnp.sqrt(jnp.maximum(deg_dst, 1.0))
    feat_n = feat * norm_src[:, None]
    msg = jnp.take(feat_n, src, axis=0)                      # gather [E, H]
    agg = jnp.zeros((N_DST, H), dtype=jnp.float32).at[dst].add(msg)  # scatter-add
    agg = agg * norm_dst[:, None]
    space_1 = jax.nn.leaky_relu(agg @ W_conv + b_conv)       # [N_DST, H]
    # Linear(1 -> H) on destination node data t0
    space_2 = dst_t0 @ W_lin + b_lin                         # [N_DST, H]
    # cat on dim=1 after unsqueezes, then rearrange 'b s t ... -> b (s t) ...'
    out_space = jnp.stack([space_1, space_2], axis=0)[None]  # [1, 2, N_DST, H]
    # AttentionReadout over dim=1
    scores = jnp.tanh(out_space @ W1 + b1) @ Wa + ba         # [1, 2, N_DST, 1]
    alpha = jax.nn.softmax(scores, axis=1)
    states = jnp.sum(alpha * out_space, axis=1)              # [1, N_DST, H]
    out = states @ Wo + bo                                   # [1, N_DST, 1]
    out = out[None]                                          # [1, 1, N_DST, 1] (horizon=1)
    # out[0][0] written back to g.nodes[node_type].data -> returned as module output
    return out[0][0]                                         # [N_DST, 1]

if __name__ == "__main__":
    import jax
    _d = setup_inputs()
    print(jax.jit(kernel)(*tuple(_d.values())))

</pallas_src>

<mosaic_0001>
#map = affine_map<(d0, d1) -> (0, 0)>
#map1 = affine_map<(d0, d1) -> (0, 0, 0)>
module attributes {stable_mosaic.version = 14 : i64} {
  func.func @_sc_gather(%arg0: i32, %arg1: i32, %arg2: memref<10240x128xf32, #tpu.memory_space<hbm>>, %arg3: memref<2560x2x128xi32, #tpu.memory_space<hbm>>, %arg4: memref<640x128xf32, #tpu.memory_space<hbm>>, %arg5: memref<2x10240x128xf32, #tpu.memory_space<hbm>>, %arg6: memref<8x2x128xi32, #tpu.memory_space<vmem>>, %arg7: memref<2x128x128xf32, #tpu.memory_space<vmem>>, %arg8: memref<8x!tpu.dma_semaphore, #tpu.memory_space<semaphore_mem>>, %arg9: memref<2x!tpu.dma_semaphore, #tpu.memory_space<semaphore_mem>>, %arg10: memref<2x!tpu.dma_semaphore, #tpu.memory_space<semaphore_mem>>, %arg11: memref<10240x128xf32, #tpu.memory_space<vmem_shared>>) attributes {dimension_semantics = [#tpu.dimension_semantics<core_parallel>, #tpu.dimension_semantics<subcore_parallel>], iteration_bounds = array<i64: 2, 16>, scalar_prefetch = 0 : i64, scratch_operands = 6 : i64, tpu.core_type = #tpu.core_type<sc_vector_subcore>, window_params = [{transform_indices = #map}, {transform_indices = #map1}, {transform_indices = #map}, {transform_indices = #map1}]} {
    %eq3A = arith.constant 0 : i32
    %eq3A_0 = arith.cmpi eq, %arg0, %eq3A : i32
    %jit3A = arith.constant 152 : i32
    %jit3A_1 = arith.constant 8 : i32
    %select_n3A = arith.select %eq3A_0, %jit3A, %jit3A_1 : i32
    %eq3A_2 = arith.constant 0 : i32
    %eq3A_3 = arith.cmpi eq, %arg0, %eq3A_2 : i32
    %mul3A = arith.constant 152 : i32
    %mul3A_4 = arith.muli %arg1, %mul3A : i32
    %mul3A_5 = arith.constant 8 : i32
    %mul3A_6 = arith.muli %arg1, %mul3A_5 : i32
    %add3A = arith.constant 2432 : i32
    %add3A_7 = arith.addi %add3A, %mul3A_6 : i32
    %select_n3A_8 = arith.select %eq3A_3, %mul3A_4, %add3A_7 : i32
    "tpu.region"() ({
      %run_scoped3A = tpu.sem_alloc : memref<!tpu.dma_semaphore, #tpu.memory_space<semaphore_mem>>
      %dma_start3A_66 = arith.constant 0 : i32
      %dma_start3A_67 = arith.constant 0 : i32
      %dma_start3A_68 = tpu.memref_slice %arg3[%select_n3A_8, %dma_start3A_66, %dma_start3A_67] : memref<2560x2x128xi32, #tpu.memory_space<hbm>> -> memref<8x2x128xi32, #tpu.memory_space<hbm>>
      %dma_start3A_69 = arith.constant 0 : i32
      %dma_start3A_70 = arith.constant 0 : i32
      %dma_start3A_71 = tpu.memref_slice %arg3[%select_n3A_8, %dma_start3A_69, %dma_start3A_70] : memref<2560x2x128xi32, #tpu.memory_space<hbm>> -> memref<8x2x128xi32, #tpu.memory_space<hbm>>
      tpu.enqueue_dma source(%dma_start3A_71 : memref<8x2x128xi32, #tpu.memory_space<hbm>>) target(%arg6 : memref<8x2x128xi32, #tpu.memory_space<vmem>>) target_semaphore(%run_scoped3A : memref<!tpu.dma_semaphore, #tpu.memory_space<semaphore_mem>>)
      %dma_wait3A = arith.constant 0 : i32
      %dma_wait3A_72 = arith.constant 0 : i32
      %dma_wait3A_73 = tpu.memref_slice %arg3[%select_n3A_8, %dma_wait3A, %dma_wait3A_72] : memref<2560x2x128xi32, #tpu.memory_space<hbm>> -> memref<8x2x128xi32, #tpu.memory_space<hbm>>
      %dma_wait3A_74 = arith.constant 0 : i32
      %dma_wait3A_75 = arith.constant 0 : i32
      %dma_wait3A_76 = tpu.memref_slice %arg3[%select_n3A_8, %dma_wait3A_74, %dma_wait3A_75] : memref<2560x2x128xi32, #tpu.memory_space<hbm>> -> memref<8x2x128xi32, #tpu.memory_space<hbm>>
      tpu.wait_dma2 semaphore(%run_scoped3A : memref<!tpu.dma_semaphore, #tpu.memory_space<semaphore_mem>>) src(%dma_wait3A_76 : memref<8x2x128xi32, #tpu.memory_space<hbm>>) dst(%arg6 : memref<8x2x128xi32, #tpu.memory_space<vmem>>)
      tpu.yield
    }) : () -> ()
    %mul3A_9 = arith.constant 640 : i32
    %mul3A_10 = arith.muli %arg1, %mul3A_9 : i32
    "tpu.region"() ({
      %run_scoped3A = tpu.sem_alloc : memref<!tpu.dma_semaphore, #tpu.memory_space<semaphore_mem>>
      %dma_start3A_66 = arith.constant 0 : i32
      %dma_start3A_67 = tpu.memref_slice %arg11[%mul3A_10, %dma_start3A_66] : memref<10240x128xf32, #tpu.memory_space<vmem_shared>> -> memref<640x128xf32, #tpu.memory_space<vmem_shared>>
      tpu.enqueue_dma source(%arg4 : memref<640x128xf32, #tpu.memory_space<hbm>>) target(%dma_start3A_67 : memref<640x128xf32, #tpu.memory_space<vmem_shared>>) target_semaphore(%run_scoped3A : memref<!tpu.dma_semaphore, #tpu.memory_space<semaphore_mem>>)
      %dma_wait3A = arith.constant 0 : i32
      %dma_wait3A_68 = tpu.memref_slice %arg11[%mul3A_10, %dma_wait3A] : memref<10240x128xf32, #tpu.memory_space<vmem_shared>> -> memref<640x128xf32, #tpu.memory_space<vmem_shared>>
      tpu.wait_dma2 semaphore(%run_scoped3A : memref<!tpu.dma_semaphore, #tpu.memory_space<semaphore_mem>>) src(%arg4 : memref<640x128xf32, #tpu.memory_space<hbm>>) dst(%dma_wait3A_68 : memref<640x128xf32, #tpu.memory_space<vmem_shared>>)
      tpu.yield
    }) : () -> ()
    %barrier3A = arith.constant 0 : index
    tpu.barrier barrier_id(%barrier3A)
    %dma_start3A = arith.constant 0 : i32
    %dma_start3A_11 = arith.constant 0 : i32
    %dma_start3A_12 = arith.constant 0 : i32
    %dma_start3A_13 = arith.constant 0 : i32
    %dma_start3A_14 = arith.constant 0 : i32
    %dma_start3A_15 = arith.constant 0 : i32
    %dma_start3A_16 = tpu.memref_slice %arg7[%dma_start3A_12, %dma_start3A_14, %dma_start3A_15] : memref<2x128x128xf32, #tpu.memory_space<vmem>> -> memref<1x128x128xf32, #tpu.memory_space<vmem>>
    %dma_start3A_17 = tpu.memref_squeeze %dma_start3A_16 : memref<1x128x128xf32, #tpu.memory_space<vmem>> -> memref<128x128xf32, #tpu.memory_space<vmem>>
    %dma_start3A_18 = arith.constant 0 : i32
    %dma_start3A_19 = tpu.memref_slice %arg6[%dma_start3A, %dma_start3A_11, %dma_start3A_18] : memref<8x2x128xi32, #tpu.memory_space<vmem>> -> memref<1x1x128xi32, #tpu.memory_space<vmem>>
    %dma_start3A_20 = tpu.memref_squeeze %dma_start3A_19 : memref<1x1x128xi32, #tpu.memory_space<vmem>> -> memref<128xi32, #tpu.memory_space<vmem>>
    %dma_start3A_21 = arith.constant 0 : i32
    %dma_start3A_22 = arith.constant 0 : i32
    %dma_start3A_23 = tpu.memref_slice %arg2[%dma_start3A_21, %dma_start3A_22] : memref<10240x128xf32, #tpu.memory_space<hbm>> -> memref<10240x128xf32, #tpu.memory_space<hbm>>
    %dma_start3A_24 = tpu.memref_slice %arg9[%dma_start3A_13] : memref<2x!tpu.dma_semaphore, #tpu.memory_space<semaphore_mem>> -> memref<1x!tpu.dma_semaphore, #tpu.memory_space<semaphore_mem>>
    %dma_start3A_25 = tpu.memref_squeeze %dma_start3A_24 : memref<1x!tpu.dma_semaphore, #tpu.memory_space<semaphore_mem>> -> memref<!tpu.dma_semaphore, #tpu.memory_space<semaphore_mem>>
    tpu.enqueue_indirect_dma source(%dma_start3A_23 : memref<10240x128xf32, #tpu.memory_space<hbm>>) target(%dma_start3A_17 : memref<128x128xf32, #tpu.memory_space<vmem>>) offsets(%dma_start3A_20 : memref<128xi32, #tpu.memory_space<vmem>>) semaphore(%dma_start3A_25 : memref<!tpu.dma_semaphore, #tpu.memory_space<semaphore_mem>>)
    %dma_start3A_26 = arith.constant 1 : i32
    %dma_start3A_27 = arith.constant 0 : i32
    %dma_start3A_28 = arith.constant 1 : i32
    %dma_start3A_29 = arith.constant 1 : i32
    %dma_start3A_30 = arith.constant 0 : i32
    %dma_start3A_31 = arith.constant 0 : i32
    %dma_start3A_32 = tpu.memref_slice %arg7[%dma_start3A_28, %dma_start3A_30, %dma_start3A_31] : memref<2x128x128xf32, #tpu.memory_space<vmem>> -> memref<1x128x128xf32, #tpu.memory_space<vmem>>
    %dma_start3A_33 = tpu.memref_squeeze %dma_start3A_32 : memref<1x128x128xf32, #tpu.memory_space<vmem>> -> memref<128x128xf32, #tpu.memory_space<vmem>>
    %dma_start3A_34 = arith.constant 0 : i32
    %dma_start3A_35 = tpu.memref_slice %arg6[%dma_start3A_26, %dma_start3A_27, %dma_start3A_34] : memref<8x2x128xi32, #tpu.memory_space<vmem>> -> memref<1x1x128xi32, #tpu.memory_space<vmem>>
    %dma_start3A_36 = tpu.memref_squeeze %dma_start3A_35 : memref<1x1x128xi32, #tpu.memory_space<vmem>> -> memref<128xi32, #tpu.memory_space<vmem>>
    %dma_start3A_37 = arith.constant 0 : i32
    %dma_start3A_38 = arith.constant 0 : i32
    %dma_start3A_39 = tpu.memref_slice %arg2[%dma_start3A_37, %dma_start3A_38] : memref<10240x128xf32, #tpu.memory_space<hbm>> -> memref<10240x128xf32, #tpu.memory_space<hbm>>
    %dma_start3A_40 = tpu.memref_slice %arg9[%dma_start3A_29] : memref<2x!tpu.dma_semaphore, #tpu.memory_space<semaphore_mem>> -> memref<1x!tpu.dma_semaphore, #tpu.memory_space<semaphore_mem>>
    %dma_start3A_41 = tpu.memref_squeeze %dma_start3A_40 : memref<1x!tpu.dma_semaphore, #tpu.memory_space<semaphore_mem>> -> memref<!tpu.dma_semaphore, #tpu.memory_space<semaphore_mem>>
    tpu.enqueue_indirect_dma source(%dma_start3A_39 : memref<10240x128xf32, #tpu.memory_space<hbm>>) target(%dma_start3A_33 : memref<128x128xf32, #tpu.memory_space<vmem>>) offsets(%dma_start3A_36 : memref<128xi32, #tpu.memory_space<vmem>>) semaphore(%dma_start3A_41 : memref<!tpu.dma_semaphore, #tpu.memory_space<semaphore_mem>>)
    %while3A = arith.constant 0 : i32
    %while3A_42 = arith.constant 0 : i32
    %while3A_43 = arith.subi %select_n3A, %while3A_42 : i32
    %while3A_44 = arith.addi %while3A_42, %while3A_43 : i32
    %while3A_45 = arith.constant 1 : i32
    %while3A_46 = arith.divsi %while3A_43, %while3A_45 : i32
    %while3A_47 = arith.muli %while3A_46, %while3A_45 : i32
    %while3A_48 = arith.addi %while3A_42, %while3A_47 : i32
    %while3A_49 = arith.constant 1 : i32
    scf.for %while3A_66 = %while3A_42 to %while3A_48 step %while3A_49  : i32 {
      %rem3A = arith.constant 2 : i32
      %rem3A_67 = arith.remsi %while3A_66, %rem3A : i32
      %rem3A_68 = arith.constant 8 : i32
      %rem3A_69 = arith.remsi %while3A_66, %rem3A_68 : i32
      %dma_wait3A = arith.constant 0 : i32
      %dma_wait3A_70 = arith.constant 0 : i32
      %dma_wait3A_71 = arith.constant 0 : i32
      %dma_wait3A_72 = tpu.memref_slice %arg7[%rem3A_67, %dma_wait3A_70, %dma_wait3A_71] : memref<2x128x128xf32, #tpu.memory_space<vmem>> -> memref<1x128x128xf32, #tpu.memory_space<vmem>>
      %dma_wait3A_73 = tpu.memref_squeeze %dma_wait3A_72 : memref<1x128x128xf32, #tpu.memory_space<vmem>> -> memref<128x128xf32, #tpu.memory_space<vmem>>
      %dma_wait3A_74 = arith.constant 0 : i32
      %dma_wait3A_75 = tpu.memref_slice %arg6[%rem3A_69, %dma_wait3A, %dma_wait3A_74] : memref<8x2x128xi32, #tpu.memory_space<vmem>> -> memref<1x1x128xi32, #tpu.memory_space<vmem>>
      %dma_wait3A_76 = tpu.memref_squeeze %dma_wait3A_75 : memref<1x1x128xi32, #tpu.memory_space<vmem>> -> memref<128xi32, #tpu.memory_space<vmem>>
      %dma_wait3A_77 = arith.constant 0 : i32
      %dma_wait3A_78 = arith.constant 0 : i32
      %dma_wait3A_79 = tpu.memref_slice %arg2[%dma_wait3A_77, %dma_wait3A_78] : memref<10240x128xf32, #tpu.memory_space<hbm>> -> memref<10240x128xf32, #tpu.memory_space<hbm>>
      %dma_wait3A_80 = tpu.memref_slice %arg9[%rem3A_67] : memref<2x!tpu.dma_semaphore, #tpu.memory_space<semaphore_mem>> -> memref<1x!tpu.dma_semaphore, #tpu.memory_space<semaphore_mem>>
      %dma_wait3A_81 = tpu.memref_squeeze %dma_wait3A_80 : memref<1x!tpu.dma_semaphore, #tpu.memory_space<semaphore_mem>> -> memref<!tpu.dma_semaphore, #tpu.memory_space<semaphore_mem>>
      tpu.wait_indirect_dma semaphore(%dma_wait3A_81 : memref<!tpu.dma_semaphore, #tpu.memory_space<semaphore_mem>>) src(%dma_wait3A_79 : memref<10240x128xf32, #tpu.memory_space<hbm>>) dst(%dma_wait3A_73 : memref<128x128xf32, #tpu.memory_space<vmem>>)
      %dma_start3A_82 = arith.constant 1 : i32
      %dma_start3A_83 = arith.constant 0 : i32
      %dma_start3A_84 = arith.constant 0 : i32
      %dma_start3A_85 = tpu.memref_slice %arg7[%rem3A_67, %dma_start3A_83, %dma_start3A_84] : memref<2x128x128xf32, #tpu.memory_space<vmem>> -> memref<1x128x128xf32, #tpu.memory_space<vmem>>
      %dma_start3A_86 = tpu.memref_squeeze %dma_start3A_85 : memref<1x128x128xf32, #tpu.memory_space<vmem>> -> memref<128x128xf32, #tpu.memory_space<vmem>>
      %dma_start3A_87 = arith.constant 0 : i32
      %dma_start3A_88 = tpu.memref_slice %arg6[%rem3A_69, %dma_start3A_82, %dma_start3A_87] : memref<8x2x128xi32, #tpu.memory_space<vmem>> -> memref<1x1x128xi32, #tpu.memory_space<vmem>>
      %dma_start3A_89 = tpu.memref_squeeze %dma_start3A_88 : memref<1x1x128xi32, #tpu.memory_space<vmem>> -> memref<128xi32, #tpu.memory_space<vmem>>
      %dma_start3A_90 = arith.constant 0 : i32
      %dma_start3A_91 = arith.constant 0 : i32
      %dma_start3A_92 = tpu.memref_slice %arg11[%dma_start3A_90, %dma_start3A_91] : memref<10240x128xf32, #tpu.memory_space<vmem_shared>> -> memref<10240x128xf32, #tpu.memory_space<vmem_shared>>
      %dma_start3A_93 = tpu.memref_slice %arg10[%rem3A_67] : memref<2x!tpu.dma_semaphore, #tpu.memory_space<semaphore_mem>> -> memref<1x!tpu.dma_semaphore, #tpu.memory_space<semaphore_mem>>
      %dma_start3A_94 = tpu.memref_squeeze %dma_start3A_93 : memref<1x!tpu.dma_semaphore, #tpu.memory_space<semaphore_mem>> -> memref<!tpu.dma_semaphore, #tpu.memory_space<semaphore_mem>>
      tpu.enqueue_indirect_dma source(%dma_start3A_86 : memref<128x128xf32, #tpu.memory_space<vmem>>) target(%dma_start3A_92 : memref<10240x128xf32, #tpu.memory_space<vmem_shared>>) offsets(%dma_start3A_89 : memref<128xi32, #tpu.memory_space<vmem>>) semaphore(%dma_start3A_94 : memref<!tpu.dma_semaphore, #tpu.memory_space<semaphore_mem>>) {add = true}
      %add3A_95 = arith.constant 2 : i32
      %add3A_96 = arith.addi %while3A_66, %add3A_95 : i32
      %rem3A_97 = arith.constant 8 : i32
      %rem3A_98 = arith.remsi %add3A_96, %rem3A_97 : i32
      %lt3A = arith.cmpi slt, %add3A_96, %select_n3A : i32
      %convert_element_type3A = arith.extui %lt3A : i1 to i32
      %cond3A = arith.constant 0 : i32
      %cond3A_99 = arith.cmpi ne, %convert_element_type3A, %cond3A : i32
      scf.if %cond3A_99 {
        %dma_wait3A_100 = arith.constant 1 : i32
        %dma_wait3A_101 = arith.constant 0 : i32
        %dma_wait3A_102 = arith.constant 0 : i32
        %dma_wait3A_103 = tpu.memref_slice %arg7[%rem3A_67, %dma_wait3A_101, %dma_wait3A_102] : memref<2x128x128xf32, #tpu.memory_space<vmem>> -> memref<1x128x128xf32, #tpu.memory_space<vmem>>
        %dma_wait3A_104 = tpu.memref_squeeze %dma_wait3A_103 : memref<1x128x128xf32, #tpu.memory_space<vmem>> -> memref<128x128xf32, #tpu.memory_space<vmem>>
        %dma_wait3A_105 = arith.constant 0 : i32
        %dma_wait3A_106 = tpu.memref_slice %arg6[%rem3A_69, %dma_wait3A_100, %dma_wait3A_105] : memref<8x2x128xi32, #tpu.memory_space<vmem>> -> memref<1x1x128xi32, #tpu.memory_space<vmem>>
        %dma_wait3A_107 = tpu.memref_squeeze %dma_wait3A_106 : memref<1x1x128xi32, #tpu.memory_space<vmem>> -> memref<128xi32, #tpu.memory_space<vmem>>
        %dma_wait3A_108 = arith.constant 0 : i32
        %dma_wait3A_109 = arith.constant 0 : i32
        %dma_wait3A_110 = tpu.memref_slice %arg11[%dma_wait3A_108, %dma_wait3A_109] : memref<10240x128xf32, #tpu.memory_space<vmem_shared>> -> memref<10240x128xf32, #tpu.memory_space<vmem_shared>>
        %dma_wait3A_111 = tpu.memref_slice %arg10[%rem3A_67] : memref<2x!tpu.dma_semaphore, #tpu.memory_space<semaphore_mem>> -> memref<1x!tpu.dma_semaphore, #tpu.memory_space<semaphore_mem>>
        %dma_wait3A_112 = tpu.memref_squeeze %dma_wait3A_111 : memref<1x!tpu.dma_semaphore, #tpu.memory_space<semaphore_mem>> -> memref<!tpu.dma_semaphore, #tpu.memory_space<semaphore_mem>>
        tpu.wait_indirect_dma semaphore(%dma_wait3A_112 : memref<!tpu.dma_semaphore, #tpu.memory_space<semaphore_mem>>) src(%dma_wait3A_104 : memref<128x128xf32, #tpu.memory_space<vmem>>) dst(%dma_wait3A_110 : memref<10240x128xf32, #tpu.memory_space<vmem_shared>>)
        %ge3A = arith.constant 8 : i32
        %ge3A_113 = arith.cmpi sge, %add3A_96, %ge3A : i32
        %convert_element_type3A_114 = arith.extui %ge3A_113 : i1 to i32
        %cond3A_115 = arith.constant 0 : i32
        %cond3A_116 = arith.cmpi ne, %convert_element_type3A_114, %cond3A_115 : i32
        scf.if %cond3A_116 {
          %add3A_136 = arith.addi %select_n3A_8, %add3A_96 : i32
          %dma_wait3A_137 = arith.constant 0 : i32
          %dma_wait3A_138 = arith.constant 0 : i32
          %dma_wait3A_139 = tpu.memref_slice %arg6[%rem3A_98, %dma_wait3A_137, %dma_wait3A_138] : memref<8x2x128xi32, #tpu.memory_space<vmem>> -> memref<1x2x128xi32, #tpu.memory_space<vmem>>
          %dma_wait3A_140 = tpu.memref_squeeze %dma_wait3A_139 : memref<1x2x128xi32, #tpu.memory_space<vmem>> -> memref<2x128xi32, #tpu.memory_space<vmem>>
          %dma_wait3A_141 = arith.constant 0 : i32
          %dma_wait3A_142 = arith.constant 0 : i32
          %dma_wait3A_143 = tpu.memref_slice %arg3[%add3A_136, %dma_wait3A_141, %dma_wait3A_142] : memref<2560x2x128xi32, #tpu.memory_space<hbm>> -> memref<1x2x128xi32, #tpu.memory_space<hbm>>
          %dma_wait3A_144 = tpu.memref_squeeze %dma_wait3A_143 : memref<1x2x128xi32, #tpu.memory_space<hbm>> -> memref<2x128xi32, #tpu.memory_space<hbm>>
          %dma_wait3A_145 = tpu.memref_slice %arg8[%rem3A_98] : memref<8x!tpu.dma_semaphore, #tpu.memory_space<semaphore_mem>> -> memref<1x!tpu.dma_semaphore, #tpu.memory_space<semaphore_mem>>
          %dma_wait3A_146 = tpu.memref_squeeze %dma_wait3A_145 : memref<1x!tpu.dma_semaphore, #tpu.memory_space<semaphore_mem>> -> memref<!tpu.dma_semaphore, #tpu.memory_space<semaphore_mem>>
          %dma_wait3A_147 = arith.constant 0 : i32
          %dma_wait3A_148 = arith.constant 0 : i32
          %dma_wait3A_149 = tpu.memref_slice %arg6[%rem3A_98, %dma_wait3A_147, %dma_wait3A_148] : memref<8x2x128xi32, #tpu.memory_space<vmem>> -> memref<1x2x128xi32, #tpu.memory_space<vmem>>
          %dma_wait3A_150 = tpu.memref_squeeze %dma_wait3A_149 : memref<1x2x128xi32, #tpu.memory_space<vmem>> -> memref<2x128xi32, #tpu.memory_space<vmem>>
          %dma_wait3A_151 = arith.constant 0 : i32
          %dma_wait3A_152 = arith.constant 0 : i32
          %dma_wait3A_153 = tpu.memref_slice %arg3[%add3A_136, %dma_wait3A_151, %dma_wait3A_152] : memref<2560x2x128xi32, #tpu.memory_space<hbm>> -> memref<1x2x128xi32, #tpu.memory_space<hbm>>
          %dma_wait3A_154 = tpu.memref_squeeze %dma_wait3A_153 : memref<1x2x128xi32, #tpu.memory_space<hbm>> -> memref<2x128xi32, #tpu.memory_space<hbm>>
          tpu.wait_dma2 semaphore(%dma_wait3A_146 : memref<!tpu.dma_semaphore, #tpu.memory_space<semaphore_mem>>) src(%dma_wait3A_154 : memref<2x128xi32, #tpu.memory_space<hbm>>) dst(%dma_wait3A_150 : memref<2x128xi32, #tpu.memory_space<vmem>>)
        } else {
        }
        %dma_start3A_117 = arith.constant 0 : i32
        %dma_start3A_118 = arith.constant 0 : i32
        %dma_start3A_119 = arith.constant 0 : i32
        %dma_start3A_120 = tpu.memref_slice %arg7[%rem3A_67, %dma_start3A_118, %dma_start3A_119] : memref<2x128x128xf32, #tpu.memory_space<vmem>> -> memref<1x128x128xf32, #tpu.memory_space<vmem>>
        %dma_start3A_121 = tpu.memref_squeeze %dma_start3A_120 : memref<1x128x128xf32, #tpu.memory_space<vmem>> -> memref<128x128xf32, #tpu.memory_space<vmem>>
        %dma_start3A_122 = arith.constant 0 : i32
        %dma_start3A_123 = tpu.memref_slice %arg6[%rem3A_98, %dma_start3A_117, %dma_start3A_122] : memref<8x2x128xi32, #tpu.memory_space<vmem>> -> memref<1x1x128xi32, #tpu.memory_space<vmem>>
        %dma_start3A_124 = tpu.memref_squeeze %dma_start3A_123 : memref<1x1x128xi32, #tpu.memory_space<vmem>> -> memref<128xi32, #tpu.memory_space<vmem>>
        %dma_start3A_125 = arith.constant 0 : i32
        %dma_start3A_126 = arith.constant 0 : i32
        %dma_start3A_127 = tpu.memref_slice %arg2[%dma_start3A_125, %dma_start3A_126] : memref<10240x128xf32, #tpu.memory_space<hbm>> -> memref<10240x128xf32, #tpu.memory_space<hbm>>
        %dma_start3A_128 = tpu.memref_slice %arg9[%rem3A_67] : memref<2x!tpu.dma_semaphore, #tpu.memory_space<semaphore_mem>> -> memref<1x!tpu.dma_semaphore, #tpu.memory_space<semaphore_mem>>
        %dma_start3A_129 = tpu.memref_squeeze %dma_start3A_128 : memref<1x!tpu.dma_semaphore, #tpu.memory_space<semaphore_mem>> -> memref<!tpu.dma_semaphore, #tpu.memory_space<semaphore_mem>>
        tpu.enqueue_indirect_dma source(%dma_start3A_127 : memref<10240x128xf32, #tpu.memory_space<hbm>>) target(%dma_start3A_121 : memref<128x128xf32, #tpu.memory_space<vmem>>) offsets(%dma_start3A_124 : memref<128xi32, #tpu.memory_space<vmem>>) semaphore(%dma_start3A_129 : memref<!tpu.dma_semaphore, #tpu.memory_space<semaphore_mem>>)
        %add3A_130 = arith.constant 8 : i32
        %add3A_131 = arith.addi %while3A_66, %add3A_130 : i32
        %lt3A_132 = arith.cmpi slt, %add3A_131, %select_n3A : i32
        %convert_element_type3A_133 = arith.extui %lt3A_132 : i1 to i32
        %cond3A_134 = arith.constant 0 : i32
        %cond3A_135 = arith.cmpi ne, %convert_element_type3A_133, %cond3A_134 : i32
        scf.if %cond3A_135 {
          %add3A_136 = arith.addi %select_n3A_8, %add3A_131 : i32
          %dma_start3A_137 = arith.constant 0 : i32
          %dma_start3A_138 = arith.constant 0 : i32
          %dma_start3A_139 = tpu.memref_slice %arg6[%rem3A_69, %dma_start3A_137, %dma_start3A_138] : memref<8x2x128xi32, #tpu.memory_space<vmem>> -> memref<1x2x128xi32, #tpu.memory_space<vmem>>
          %dma_start3A_140 = tpu.memref_squeeze %dma_start3A_139 : memref<1x2x128xi32, #tpu.memory_space<vmem>> -> memref<2x128xi32, #tpu.memory_space<vmem>>
          %dma_start3A_141 = arith.constant 0 : i32
          %dma_start3A_142 = arith.constant 0 : i32
          %dma_start3A_143 = tpu.memref_slice %arg3[%add3A_136, %dma_start3A_141, %dma_start3A_142] : memref<2560x2x128xi32, #tpu.memory_space<hbm>> -> memref<1x2x128xi32, #tpu.memory_space<hbm>>
          %dma_start3A_144 = tpu.memref_squeeze %dma_start3A_143 : memref<1x2x128xi32, #tpu.memory_space<hbm>> -> memref<2x128xi32, #tpu.memory_space<hbm>>
          %dma_start3A_145 = tpu.memref_slice %arg8[%rem3A_69] : memref<8x!tpu.dma_semaphore, #tpu.memory_space<semaphore_mem>> -> memref<1x!tpu.dma_semaphore, #tpu.memory_space<semaphore_mem>>
          %dma_start3A_146 = tpu.memref_squeeze %dma_start3A_145 : memref<1x!tpu.dma_semaphore, #tpu.memory_space<semaphore_mem>> -> memref<!tpu.dma_semaphore, #tpu.memory_space<semaphore_mem>>
          %dma_start3A_147 = arith.constant 0 : i32
          %dma_start3A_148 = arith.constant 0 : i32
          %dma_start3A_149 = tpu.memref_slice %arg6[%rem3A_69, %dma_start3A_147, %dma_start3A_148] : memref<8x2x128xi32, #tpu.memory_space<vmem>> -> memref<1x2x128xi32, #tpu.memory_space<vmem>>
          %dma_start3A_150 = tpu.memref_squeeze %dma_start3A_149 : memref<1x2x128xi32, #tpu.memory_space<vmem>> -> memref<2x128xi32, #tpu.memory_space<vmem>>
          %dma_start3A_151 = arith.constant 0 : i32
          %dma_start3A_152 = arith.constant 0 : i32
          %dma_start3A_153 = tpu.memref_slice %arg3[%add3A_136, %dma_start3A_151, %dma_start3A_152] : memref<2560x2x128xi32, #tpu.memory_space<hbm>> -> memref<1x2x128xi32, #tpu.memory_space<hbm>>
          %dma_start3A_154 = tpu.memref_squeeze %dma_start3A_153 : memref<1x2x128xi32, #tpu.memory_space<hbm>> -> memref<2x128xi32, #tpu.memory_space<hbm>>
          tpu.enqueue_dma source(%dma_start3A_154 : memref<2x128xi32, #tpu.memory_space<hbm>>) target(%dma_start3A_150 : memref<2x128xi32, #tpu.memory_space<vmem>>) target_semaphore(%dma_start3A_146 : memref<!tpu.dma_semaphore, #tpu.memory_space<semaphore_mem>>)
        } else {
        }
      } else {
      }
    }
    %while3A_50 = arith.constant 1 : i32
    scf.for %while3A_66 = %while3A_48 to %while3A_44 step %while3A_50  : i32 {
      %rem3A = arith.constant 2 : i32
      %rem3A_67 = arith.remsi %while3A_66, %rem3A : i32
      %rem3A_68 = arith.constant 8 : i32
      %rem3A_69 = arith.remsi %while3A_66, %rem3A_68 : i32
      %dma_wait3A = arith.constant 0 : i32
      %dma_wait3A_70 = arith.constant 0 : i32
      %dma_wait3A_71 = arith.constant 0 : i32
      %dma_wait3A_72 = tpu.memref_slice %arg7[%rem3A_67, %dma_wait3A_70, %dma_wait3A_71] : memref<2x128x128xf32, #tpu.memory_space<vmem>> -> memref<1x128x128xf32, #tpu.memory_space<vmem>>
      %dma_wait3A_73 = tpu.memref_squeeze %dma_wait3A_72 : memref<1x128x128xf32, #tpu.memory_space<vmem>> -> memref<128x128xf32, #tpu.memory_space<vmem>>
      %dma_wait3A_74 = arith.constant 0 : i32
      %dma_wait3A_75 = tpu.memref_slice %arg6[%rem3A_69, %dma_wait3A, %dma_wait3A_74] : memref<8x2x128xi32, #tpu.memory_space<vmem>> -> memref<1x1x128xi32, #tpu.memory_space<vmem>>
      %dma_wait3A_76 = tpu.memref_squeeze %dma_wait3A_75 : memref<1x1x128xi32, #tpu.memory_space<vmem>> -> memref<128xi32, #tpu.memory_space<vmem>>
      %dma_wait3A_77 = arith.constant 0 : i32
      %dma_wait3A_78 = arith.constant 0 : i32
      %dma_wait3A_79 = tpu.memref_slice %arg2[%dma_wait3A_77, %dma_wait3A_78] : memref<10240x128xf32, #tpu.memory_space<hbm>> -> memref<10240x128xf32, #tpu.memory_space<hbm>>
      %dma_wait3A_80 = tpu.memref_slice %arg9[%rem3A_67] : memref<2x!tpu.dma_semaphore, #tpu.memory_space<semaphore_mem>> -> memref<1x!tpu.dma_semaphore, #tpu.memory_space<semaphore_mem>>
      %dma_wait3A_81 = tpu.memref_squeeze %dma_wait3A_80 : memref<1x!tpu.dma_semaphore, #tpu.memory_space<semaphore_mem>> -> memref<!tpu.dma_semaphore, #tpu.memory_space<semaphore_mem>>
      tpu.wait_indirect_dma semaphore(%dma_wait3A_81 : memref<!tpu.dma_semaphore, #tpu.memory_space<semaphore_mem>>) src(%dma_wait3A_79 : memref<10240x128xf32, #tpu.memory_space<hbm>>) dst(%dma_wait3A_73 : memref<128x128xf32, #tpu.memory_space<vmem>>)
      %dma_start3A_82 = arith.constant 1 : i32
      %dma_start3A_83 = arith.constant 0 : i32
      %dma_start3A_84 = arith.constant 0 : i32
      %dma_start3A_85 = tpu.memref_slice %arg7[%rem3A_67, %dma_start3A_83, %dma_start3A_84] : memref<2x128x128xf32, #tpu.memory_space<vmem>> -> memref<1x128x128xf32, #tpu.memory_space<vmem>>
      %dma_start3A_86 = tpu.memref_squeeze %dma_start3A_85 : memref<1x128x128xf32, #tpu.memory_space<vmem>> -> memref<128x128xf32, #tpu.memory_space<vmem>>
      %dma_start3A_87 = arith.constant 0 : i32
      %dma_start3A_88 = tpu.memref_slice %arg6[%rem3A_69, %dma_start3A_82, %dma_start3A_87] : memref<8x2x128xi32, #tpu.memory_space<vmem>> -> memref<1x1x128xi32, #tpu.memory_space<vmem>>
      %dma_start3A_89 = tpu.memref_squeeze %dma_start3A_88 : memref<1x1x128xi32, #tpu.memory_space<vmem>> -> memref<128xi32, #tpu.memory_space<vmem>>
      %dma_start3A_90 = arith.constant 0 : i32
      %dma_start3A_91 = arith.constant 0 : i32
      %dma_start3A_92 = tpu.memref_slice %arg11[%dma_start3A_90, %dma_start3A_91] : memref<10240x128xf32, #tpu.memory_space<vmem_shared>> -> memref<10240x128xf32, #tpu.memory_space<vmem_shared>>
      %dma_start3A_93 = tpu.memref_slice %arg10[%rem3A_67] : memref<2x!tpu.dma_semaphore, #tpu.memory_space<semaphore_mem>> -> memref<1x!tpu.dma_semaphore, #tpu.memory_space<semaphore_mem>>
      %dma_start3A_94 = tpu.memref_squeeze %dma_start3A_93 : memref<1x!tpu.dma_semaphore, #tpu.memory_space<semaphore_mem>> -> memref<!tpu.dma_semaphore, #tpu.memory_space<semaphore_mem>>
      tpu.enqueue_indirect_dma source(%dma_start3A_86 : memref<128x128xf32, #tpu.memory_space<vmem>>) target(%dma_start3A_92 : memref<10240x128xf32, #tpu.memory_space<vmem_shared>>) offsets(%dma_start3A_89 : memref<128xi32, #tpu.memory_space<vmem>>) semaphore(%dma_start3A_94 : memref<!tpu.dma_semaphore, #tpu.memory_space<semaphore_mem>>) {add = true}
      %add3A_95 = arith.constant 2 : i32
      %add3A_96 = arith.addi %while3A_66, %add3A_95 : i32
      %rem3A_97 = arith.constant 8 : i32
      %rem3A_98 = arith.remsi %add3A_96, %rem3A_97 : i32
      %lt3A = arith.cmpi slt, %add3A_96, %select_n3A : i32
      %convert_element_type3A = arith.extui %lt3A : i1 to i32
      %cond3A = arith.constant 0 : i32
      %cond3A_99 = arith.cmpi ne, %convert_element_type3A, %cond3A : i32
      scf.if %cond3A_99 {
        %dma_wait3A_100 = arith.constant 1 : i32
        %dma_wait3A_101 = arith.constant 0 : i32
        %dma_wait3A_102 = arith.constant 0 : i32
        %dma_wait3A_103 = tpu.memref_slice %arg7[%rem3A_67, %dma_wait3A_101, %dma_wait3A_102] : memref<2x128x128xf32, #tpu.memory_space<vmem>> -> memref<1x128x128xf32, #tpu.memory_space<vmem>>
        %dma_wait3A_104 = tpu.memref_squeeze %dma_wait3A_103 : memref<1x128x128xf32, #tpu.memory_space<vmem>> -> memref<128x128xf32, #tpu.memory_space<vmem>>
        %dma_wait3A_105 = arith.constant 0 : i32
        %dma_wait3A_106 = tpu.memref_slice %arg6[%rem3A_69, %dma_wait3A_100, %dma_wait3A_105] : memref<8x2x128xi32, #tpu.memory_space<vmem>> -> memref<1x1x128xi32, #tpu.memory_space<vmem>>
        %dma_wait3A_107 = tpu.memref_squeeze %dma_wait3A_106 : memref<1x1x128xi32, #tpu.memory_space<vmem>> -> memref<128xi32, #tpu.memory_space<vmem>>
        %dma_wait3A_108 = arith.constant 0 : i32
        %dma_wait3A_109 = arith.constant 0 : i32
        %dma_wait3A_110 = tpu.memref_slice %arg11[%dma_wait3A_108, %dma_wait3A_109] : memref<10240x128xf32, #tpu.memory_space<vmem_shared>> -> memref<10240x128xf32, #tpu.memory_space<vmem_shared>>
        %dma_wait3A_111 = tpu.memref_slice %arg10[%rem3A_67] : memref<2x!tpu.dma_semaphore, #tpu.memory_space<semaphore_mem>> -> memref<1x!tpu.dma_semaphore, #tpu.memory_space<semaphore_mem>>
        %dma_wait3A_112 = tpu.memref_squeeze %dma_wait3A_111 : memref<1x!tpu.dma_semaphore, #tpu.memory_space<semaphore_mem>> -> memref<!tpu.dma_semaphore, #tpu.memory_space<semaphore_mem>>
        tpu.wait_indirect_dma semaphore(%dma_wait3A_112 : memref<!tpu.dma_semaphore, #tpu.memory_space<semaphore_mem>>) src(%dma_wait3A_104 : memref<128x128xf32, #tpu.memory_space<vmem>>) dst(%dma_wait3A_110 : memref<10240x128xf32, #tpu.memory_space<vmem_shared>>)
        %ge3A = arith.constant 8 : i32
        %ge3A_113 = arith.cmpi sge, %add3A_96, %ge3A : i32
        %convert_element_type3A_114 = arith.extui %ge3A_113 : i1 to i32
        %cond3A_115 = arith.constant 0 : i32
        %cond3A_116 = arith.cmpi ne, %convert_element_type3A_114, %cond3A_115 : i32
        scf.if %cond3A_116 {
          %add3A_136 = arith.addi %select_n3A_8, %add3A_96 : i32
          %dma_wait3A_137 = arith.constant 0 : i32
          %dma_wait3A_138 = arith.constant 0 : i32
          %dma_wait3A_139 = tpu.memref_slice %arg6[%rem3A_98, %dma_wait3A_137, %dma_wait3A_138] : memref<8x2x128xi32, #tpu.memory_space<vmem>> -> memref<1x2x128xi32, #tpu.memory_space<vmem>>
          %dma_wait3A_140 = tpu.memref_squeeze %dma_wait3A_139 : memref<1x2x128xi32, #tpu.memory_space<vmem>> -> memref<2x128xi32, #tpu.memory_space<vmem>>
          %dma_wait3A_141 = arith.constant 0 : i32
          %dma_wait3A_142 = arith.constant 0 : i32
          %dma_wait3A_143 = tpu.memref_slice %arg3[%add3A_136, %dma_wait3A_141, %dma_wait3A_142] : memref<2560x2x128xi32, #tpu.memory_space<hbm>> -> memref<1x2x128xi32, #tpu.memory_space<hbm>>
          %dma_wait3A_144 = tpu.memref_squeeze %dma_wait3A_143 : memref<1x2x128xi32, #tpu.memory_space<hbm>> -> memref<2x128xi32, #tpu.memory_space<hbm>>
          %dma_wait3A_145 = tpu.memref_slice %arg8[%rem3A_98] : memref<8x!tpu.dma_semaphore, #tpu.memory_space<semaphore_mem>> -> memref<1x!tpu.dma_semaphore, #tpu.memory_space<semaphore_mem>>
          %dma_wait3A_146 = tpu.memref_squeeze %dma_wait3A_145 : memref<1x!tpu.dma_semaphore, #tpu.memory_space<semaphore_mem>> -> memref<!tpu.dma_semaphore, #tpu.memory_space<semaphore_mem>>
          %dma_wait3A_147 = arith.constant 0 : i32
          %dma_wait3A_148 = arith.constant 0 : i32
          %dma_wait3A_149 = tpu.memref_slice %arg6[%rem3A_98, %dma_wait3A_147, %dma_wait3A_148] : memref<8x2x128xi32, #tpu.memory_space<vmem>> -> memref<1x2x128xi32, #tpu.memory_space<vmem>>
          %dma_wait3A_150 = tpu.memref_squeeze %dma_wait3A_149 : memref<1x2x128xi32, #tpu.memory_space<vmem>> -> memref<2x128xi32, #tpu.memory_space<vmem>>
          %dma_wait3A_151 = arith.constant 0 : i32
          %dma_wait3A_152 = arith.constant 0 : i32
          %dma_wait3A_153 = tpu.memref_slice %arg3[%add3A_136, %dma_wait3A_151, %dma_wait3A_152] : memref<2560x2x128xi32, #tpu.memory_space<hbm>> -> memref<1x2x128xi32, #tpu.memory_space<hbm>>
          %dma_wait3A_154 = tpu.memref_squeeze %dma_wait3A_153 : memref<1x2x128xi32, #tpu.memory_space<hbm>> -> memref<2x128xi32, #tpu.memory_space<hbm>>
          tpu.wait_dma2 semaphore(%dma_wait3A_146 : memref<!tpu.dma_semaphore, #tpu.memory_space<semaphore_mem>>) src(%dma_wait3A_154 : memref<2x128xi32, #tpu.memory_space<hbm>>) dst(%dma_wait3A_150 : memref<2x128xi32, #tpu.memory_space<vmem>>)
        } else {
        }
        %dma_start3A_117 = arith.constant 0 : i32
        %dma_start3A_118 = arith.constant 0 : i32
        %dma_start3A_119 = arith.constant 0 : i32
        %dma_start3A_120 = tpu.memref_slice %arg7[%rem3A_67, %dma_start3A_118, %dma_start3A_119] : memref<2x128x128xf32, #tpu.memory_space<vmem>> -> memref<1x128x128xf32, #tpu.memory_space<vmem>>
        %dma_start3A_121 = tpu.memref_squeeze %dma_start3A_120 : memref<1x128x128xf32, #tpu.memory_space<vmem>> -> memref<128x128xf32, #tpu.memory_space<vmem>>
        %dma_start3A_122 = arith.constant 0 : i32
        %dma_start3A_123 = tpu.memref_slice %arg6[%rem3A_98, %dma_start3A_117, %dma_start3A_122] : memref<8x2x128xi32, #tpu.memory_space<vmem>> -> memref<1x1x128xi32, #tpu.memory_space<vmem>>
        %dma_start3A_124 = tpu.memref_squeeze %dma_start3A_123 : memref<1x1x128xi32, #tpu.memory_space<vmem>> -> memref<128xi32, #tpu.memory_space<vmem>>
        %dma_start3A_125 = arith.constant 0 : i32
        %dma_start3A_126 = arith.constant 0 : i32
        %dma_start3A_127 = tpu.memref_slice %arg2[%dma_start3A_125, %dma_start3A_126] : memref<10240x128xf32, #tpu.memory_space<hbm>> -> memref<10240x128xf32, #tpu.memory_space<hbm>>
        %dma_start3A_128 = tpu.memref_slice %arg9[%rem3A_67] : memref<2x!tpu.dma_semaphore, #tpu.memory_space<semaphore_mem>> -> memref<1x!tpu.dma_semaphore, #tpu.memory_space<semaphore_mem>>
        %dma_start3A_129 = tpu.memref_squeeze %dma_start3A_128 : memref<1x!tpu.dma_semaphore, #tpu.memory_space<semaphore_mem>> -> memref<!tpu.dma_semaphore, #tpu.memory_space<semaphore_mem>>
        tpu.enqueue_indirect_dma source(%dma_start3A_127 : memref<10240x128xf32, #tpu.memory_space<hbm>>) target(%dma_start3A_121 : memref<128x128xf32, #tpu.memory_space<vmem>>) offsets(%dma_start3A_124 : memref<128xi32, #tpu.memory_space<vmem>>) semaphore(%dma_start3A_129 : memref<!tpu.dma_semaphore, #tpu.memory_space<semaphore_mem>>)
        %add3A_130 = arith.constant 8 : i32
        %add3A_131 = arith.addi %while3A_66, %add3A_130 : i32
        %lt3A_132 = arith.cmpi slt, %add3A_131, %select_n3A : i32
        %convert_element_type3A_133 = arith.extui %lt3A_132 : i1 to i32
        %cond3A_134 = arith.constant 0 : i32
        %cond3A_135 = arith.cmpi ne, %convert_element_type3A_133, %cond3A_134 : i32
        scf.if %cond3A_135 {
          %add3A_136 = arith.addi %select_n3A_8, %add3A_131 : i32
          %dma_start3A_137 = arith.constant 0 : i32
          %dma_start3A_138 = arith.constant 0 : i32
          %dma_start3A_139 = tpu.memref_slice %arg6[%rem3A_69, %dma_start3A_137, %dma_start3A_138] : memref<8x2x128xi32, #tpu.memory_space<vmem>> -> memref<1x2x128xi32, #tpu.memory_space<vmem>>
          %dma_start3A_140 = tpu.memref_squeeze %dma_start3A_139 : memref<1x2x128xi32, #tpu.memory_space<vmem>> -> memref<2x128xi32, #tpu.memory_space<vmem>>
          %dma_start3A_141 = arith.constant 0 : i32
          %dma_start3A_142 = arith.constant 0 : i32
          %dma_start3A_143 = tpu.memref_slice %arg3[%add3A_136, %dma_start3A_141, %dma_start3A_142] : memref<2560x2x128xi32, #tpu.memory_space<hbm>> -> memref<1x2x128xi32, #tpu.memory_space<hbm>>
          %dma_start3A_144 = tpu.memref_squeeze %dma_start3A_143 : memref<1x2x128xi32, #tpu.memory_space<hbm>> -> memref<2x128xi32, #tpu.memory_space<hbm>>
          %dma_start3A_145 = tpu.memref_slice %arg8[%rem3A_69] : memref<8x!tpu.dma_semaphore, #tpu.memory_space<semaphore_mem>> -> memref<1x!tpu.dma_semaphore, #tpu.memory_space<semaphore_mem>>
          %dma_start3A_146 = tpu.memref_squeeze %dma_start3A_145 : memref<1x!tpu.dma_semaphore, #tpu.memory_space<semaphore_mem>> -> memref<!tpu.dma_semaphore, #tpu.memory_space<semaphore_mem>>
          %dma_start3A_147 = arith.constant 0 : i32
          %dma_start3A_148 = arith.constant 0 : i32
          %dma_start3A_149 = tpu.memref_slice %arg6[%rem3A_69, %dma_start3A_147, %dma_start3A_148] : memref<8x2x128xi32, #tpu.memory_space<vmem>> -> memref<1x2x128xi32, #tpu.memory_space<vmem>>
          %dma_start3A_150 = tpu.memref_squeeze %dma_start3A_149 : memref<1x2x128xi32, #tpu.memory_space<vmem>> -> memref<2x128xi32, #tpu.memory_space<vmem>>
          %dma_start3A_151 = arith.constant 0 : i32
          %dma_start3A_152 = arith.constant 0 : i32
          %dma_start3A_153 = tpu.memref_slice %arg3[%add3A_136, %dma_start3A_151, %dma_start3A_152] : memref<2560x2x128xi32, #tpu.memory_space<hbm>> -> memref<1x2x128xi32, #tpu.memory_space<hbm>>
          %dma_start3A_154 = tpu.memref_squeeze %dma_start3A_153 : memref<1x2x128xi32, #tpu.memory_space<hbm>> -> memref<2x128xi32, #tpu.memory_space<hbm>>
          tpu.enqueue_dma source(%dma_start3A_154 : memref<2x128xi32, #tpu.memory_space<hbm>>) target(%dma_start3A_150 : memref<2x128xi32, #tpu.memory_space<vmem>>) target_semaphore(%dma_start3A_146 : memref<!tpu.dma_semaphore, #tpu.memory_space<semaphore_mem>>)
        } else {
        }
      } else {
      }
    }
    %sub3A = arith.constant 2 : i32
    %sub3A_51 = arith.subi %select_n3A, %sub3A : i32
    %while3A_52 = arith.constant 0 : i32
    %while3A_53 = arith.subi %select_n3A, %sub3A_51 : i32
    %while3A_54 = arith.addi %sub3A_51, %while3A_53 : i32
    %while3A_55 = arith.constant 1 : i32
    %while3A_56 = arith.divsi %while3A_53, %while3A_55 : i32
    %while3A_57 = arith.muli %while3A_56, %while3A_55 : i32
    %while3A_58 = arith.addi %sub3A_51, %while3A_57 : i32
    %while3A_59 = arith.constant 1 : i32
    scf.for %while3A_66 = %sub3A_51 to %while3A_58 step %while3A_59  : i32 {
      %rem3A = arith.constant 2 : i32
      %rem3A_67 = arith.remsi %while3A_66, %rem3A : i32
      %rem3A_68 = arith.constant 8 : i32
      %rem3A_69 = arith.remsi %while3A_66, %rem3A_68 : i32
      %dma_wait3A = arith.constant 1 : i32
      %dma_wait3A_70 = arith.constant 0 : i32
      %dma_wait3A_71 = arith.constant 0 : i32
      %dma_wait3A_72 = tpu.memref_slice %arg7[%rem3A_67, %dma_wait3A_70, %dma_wait3A_71] : memref<2x128x128xf32, #tpu.memory_space<vmem>> -> memref<1x128x128xf32, #tpu.memory_space<vmem>>
      %dma_wait3A_73 = tpu.memref_squeeze %dma_wait3A_72 : memref<1x128x128xf32, #tpu.memory_space<vmem>> -> memref<128x128xf32, #tpu.memory_space<vmem>>
      %dma_wait3A_74 = arith.constant 0 : i32
      %dma_wait3A_75 = tpu.memref_slice %arg6[%rem3A_69, %dma_wait3A, %dma_wait3A_74] : memref<8x2x128xi32, #tpu.memory_space<vmem>> -> memref<1x1x128xi32, #tpu.memory_space<vmem>>
      %dma_wait3A_76 = tpu.memref_squeeze %dma_wait3A_75 : memref<1x1x128xi32, #tpu.memory_space<vmem>> -> memref<128xi32, #tpu.memory_space<vmem>>
      %dma_wait3A_77 = arith.constant 0 : i32
      %dma_wait3A_78 = arith.constant 0 : i32
      %dma_wait3A_79 = tpu.memref_slice %arg11[%dma_wait3A_77, %dma_wait3A_78] : memref<10240x128xf32, #tpu.memory_space<vmem_shared>> -> memref<10240x128xf32, #tpu.memory_space<vmem_shared>>
      %dma_wait3A_80 = tpu.memref_slice %arg10[%rem3A_67] : memref<2x!tpu.dma_semaphore, #tpu.memory_space<semaphore_mem>> -> memref<1x!tpu.dma_semaphore, #tpu.memory_space<semaphore_mem>>
      %dma_wait3A_81 = tpu.memref_squeeze %dma_wait3A_80 : memref<1x!tpu.dma_semaphore, #tpu.memory_space<semaphore_mem>> -> memref<!tpu.dma_semaphore, #tpu.memory_space<semaphore_mem>>
      tpu.wait_indirect_dma semaphore(%dma_wait3A_81 : memref<!tpu.dma_semaphore, #tpu.memory_space<semaphore_mem>>) src(%dma_wait3A_73 : memref<128x128xf32, #tpu.memory_space<vmem>>) dst(%dma_wait3A_79 : memref<10240x128xf32, #tpu.memory_space<vmem_shared>>)
    }
    %while3A_60 = arith.constant 1 : i32
    scf.for %while3A_66 = %while3A_58 to %while3A_54 step %while3A_60  : i32 {
      %rem3A = arith.constant 2 : i32
      %rem3A_67 = arith.remsi %while3A_66, %rem3A : i32
      %rem3A_68 = arith.constant 8 : i32
      %rem3A_69 = arith.remsi %while3A_66, %rem3A_68 : i32
      %dma_wait3A = arith.constant 1 : i32
      %dma_wait3A_70 = arith.constant 0 : i32
      %dma_wait3A_71 = arith.constant 0 : i32
      %dma_wait3A_72 = tpu.memref_slice %arg7[%rem3A_67, %dma_wait3A_70, %dma_wait3A_71] : memref<2x128x128xf32, #tpu.memory_space<vmem>> -> memref<1x128x128xf32, #tpu.memory_space<vmem>>
      %dma_wait3A_73 = tpu.memref_squeeze %dma_wait3A_72 : memref<1x128x128xf32, #tpu.memory_space<vmem>> -> memref<128x128xf32, #tpu.memory_space<vmem>>
      %dma_wait3A_74 = arith.constant 0 : i32
      %dma_wait3A_75 = tpu.memref_slice %arg6[%rem3A_69, %dma_wait3A, %dma_wait3A_74] : memref<8x2x128xi32, #tpu.memory_space<vmem>> -> memref<1x1x128xi32, #tpu.memory_space<vmem>>
      %dma_wait3A_76 = tpu.memref_squeeze %dma_wait3A_75 : memref<1x1x128xi32, #tpu.memory_space<vmem>> -> memref<128xi32, #tpu.memory_space<vmem>>
      %dma_wait3A_77 = arith.constant 0 : i32
      %dma_wait3A_78 = arith.constant 0 : i32
      %dma_wait3A_79 = tpu.memref_slice %arg11[%dma_wait3A_77, %dma_wait3A_78] : memref<10240x128xf32, #tpu.memory_space<vmem_shared>> -> memref<10240x128xf32, #tpu.memory_space<vmem_shared>>
      %dma_wait3A_80 = tpu.memref_slice %arg10[%rem3A_67] : memref<2x!tpu.dma_semaphore, #tpu.memory_space<semaphore_mem>> -> memref<1x!tpu.dma_semaphore, #tpu.memory_space<semaphore_mem>>
      %dma_wait3A_81 = tpu.memref_squeeze %dma_wait3A_80 : memref<1x!tpu.dma_semaphore, #tpu.memory_space<semaphore_mem>> -> memref<!tpu.dma_semaphore, #tpu.memory_space<semaphore_mem>>
      tpu.wait_indirect_dma semaphore(%dma_wait3A_81 : memref<!tpu.dma_semaphore, #tpu.memory_space<semaphore_mem>>) src(%dma_wait3A_73 : memref<128x128xf32, #tpu.memory_space<vmem>>) dst(%dma_wait3A_79 : memref<10240x128xf32, #tpu.memory_space<vmem_shared>>)
    }
    %barrier3A_61 = arith.constant 0 : index
    tpu.barrier barrier_id(%barrier3A_61)
    %mul3A_62 = arith.constant 640 : i32
    %mul3A_63 = arith.muli %arg1, %mul3A_62 : i32
    %mul3A_64 = arith.constant 640 : i32
    %mul3A_65 = arith.muli %arg1, %mul3A_64 : i32
    "tpu.region"() ({
      %run_scoped3A = tpu.sem_alloc : memref<!tpu.dma_semaphore, #tpu.memory_space<semaphore_mem>>
      %dma_start3A_66 = arith.constant 0 : i32
      %dma_start3A_67 = tpu.memref_slice %arg5[%arg0, %mul3A_65, %dma_start3A_66] : memref<2x10240x128xf32, #tpu.memory_space<hbm>> -> memref<1x640x128xf32, #tpu.memory_space<hbm>>
      %dma_start3A_68 = tpu.memref_squeeze %dma_start3A_67 : memref<1x640x128xf32, #tpu.memory_space<hbm>> -> memref<640x128xf32, #tpu.memory_space<hbm>>
      %dma_start3A_69 = arith.constant 0 : i32
      %dma_start3A_70 = tpu.memref_slice %arg11[%mul3A_63, %dma_start3A_69] : memref<10240x128xf32, #tpu.memory_space<vmem_shared>> -> memref<640x128xf32, #tpu.memory_space<vmem_shared>>
      tpu.enqueue_dma source(%dma_start3A_70 : memref<640x128xf32, #tpu.memory_space<vmem_shared>>) target(%dma_start3A_68 : memref<640x128xf32, #tpu.memory_space<hbm>>) target_semaphore(%run_scoped3A : memref<!tpu.dma_semaphore, #tpu.memory_space<semaphore_mem>>)
      %dma_wait3A = arith.constant 0 : i32
      %dma_wait3A_71 = tpu.memref_slice %arg5[%arg0, %mul3A_65, %dma_wait3A] : memref<2x10240x128xf32, #tpu.memory_space<hbm>> -> memref<1x640x128xf32, #tpu.memory_space<hbm>>
      %dma_wait3A_72 = tpu.memref_squeeze %dma_wait3A_71 : memref<1x640x128xf32, #tpu.memory_space<hbm>> -> memref<640x128xf32, #tpu.memory_space<hbm>>
      %dma_wait3A_73 = arith.constant 0 : i32
      %dma_wait3A_74 = tpu.memref_slice %arg11[%mul3A_63, %dma_wait3A_73] : memref<10240x128xf32, #tpu.memory_space<vmem_shared>> -> memref<640x128xf32, #tpu.memory_space<vmem_shared>>
      tpu.wait_dma2 semaphore(%run_scoped3A : memref<!tpu.dma_semaphore, #tpu.memory_space<semaphore_mem>>) src(%dma_wait3A_74 : memref<640x128xf32, #tpu.memory_space<vmem_shared>>) dst(%dma_wait3A_72 : memref<640x128xf32, #tpu.memory_space<hbm>>)
      tpu.yield
    }) : () -> ()
    return
  }
}

#map = affine_map<(d0, d1) -> (0, 0, 0)>
#map1 = affine_map<(d0, d1) -> (0)>
module attributes {stable_mosaic.version = 14 : i64} {
  func.func @_sc_degrees(%arg0: i32, %arg1: i32, %arg2: memref<32x80x128xi32, #tpu.memory_space<hbm>>, %arg3: memref<32x80x128xi32, #tpu.memory_space<hbm>>, %arg4: memref<10240xf32, #tpu.memory_space<hbm>>, %arg5: memref<2x2x10240xf32, #tpu.memory_space<hbm>>, %arg6: memref<80x128xi32, #tpu.memory_space<vmem>>, %arg7: memref<80x128xi32, #tpu.memory_space<vmem>>, %arg8: memref<128xf32, #tpu.memory_space<vmem>>, %arg9: memref<10240xf32, #tpu.memory_space<vmem_shared>>, %arg10: memref<10240xf32, #tpu.memory_space<vmem_shared>>) attributes {dimension_semantics = [#tpu.dimension_semantics<core_parallel>, #tpu.dimension_semantics<subcore_parallel>], iteration_bounds = array<i64: 2, 16>, scalar_prefetch = 0 : i64, scratch_operands = 5 : i64, tpu.core_type = #tpu.core_type<sc_vector_subcore>, window_params = [{transform_indices = #map}, {transform_indices = #map}, {transform_indices = #map1}, {transform_indices = #map}]} {
    %mul3A = arith.constant 2 : i32
    %mul3A_0 = arith.muli %arg1, %mul3A : i32
    %add3A = arith.addi %mul3A_0, %arg0 : i32
    "tpu.region"() ({
      %run_scoped3A_70 = tpu.sem_alloc : memref<!tpu.dma_semaphore, #tpu.memory_space<semaphore_mem>>
      %dma_start3A = arith.constant 0 : i32
      %dma_start3A_71 = arith.constant 0 : i32
      %dma_start3A_72 = tpu.memref_slice %arg2[%add3A, %dma_start3A, %dma_start3A_71] : memref<32x80x128xi32, #tpu.memory_space<hbm>> -> memref<1x80x128xi32, #tpu.memory_space<hbm>>
      %dma_start3A_73 = tpu.memref_squeeze %dma_start3A_72 : memref<1x80x128xi32, #tpu.memory_space<hbm>> -> memref<80x128xi32, #tpu.memory_space<hbm>>
      %dma_start3A_74 = arith.constant 0 : i32
      %dma_start3A_75 = arith.constant 0 : i32
      %dma_start3A_76 = tpu.memref_slice %arg2[%add3A, %dma_start3A_74, %dma_start3A_75] : memref<32x80x128xi32, #tpu.memory_space<hbm>> -> memref<1x80x128xi32, #tpu.memory_space<hbm>>
      %dma_start3A_77 = tpu.memref_squeeze %dma_start3A_76 : memref<1x80x128xi32, #tpu.memory_space<hbm>> -> memref<80x128xi32, #tpu.memory_space<hbm>>
      tpu.enqueue_dma source(%dma_start3A_77 : memref<80x128xi32, #tpu.memory_space<hbm>>) target(%arg6 : memref<80x128xi32, #tpu.memory_space<vmem>>) target_semaphore(%run_scoped3A_70 : memref<!tpu.dma_semaphore, #tpu.memory_space<semaphore_mem>>)
      %dma_wait3A = arith.constant 0 : i32
      %dma_wait3A_78 = arith.constant 0 : i32
      %dma_wait3A_79 = tpu.memref_slice %arg2[%add3A, %dma_wait3A, %dma_wait3A_78] : memref<32x80x128xi32, #tpu.memory_space<hbm>> -> memref<1x80x128xi32, #tpu.memory_space<hbm>>
      %dma_wait3A_80 = tpu.memref_squeeze %dma_wait3A_79 : memref<1x80x128xi32, #tpu.memory_space<hbm>> -> memref<80x128xi32, #tpu.memory_space<hbm>>
      %dma_wait3A_81 = arith.constant 0 : i32
      %dma_wait3A_82 = arith.constant 0 : i32
      %dma_wait3A_83 = tpu.memref_slice %arg2[%add3A, %dma_wait3A_81, %dma_wait3A_82] : memref<32x80x128xi32, #tpu.memory_space<hbm>> -> memref<1x80x128xi32, #tpu.memory_space<hbm>>
      %dma_wait3A_84 = tpu.memref_squeeze %dma_wait3A_83 : memref<1x80x128xi32, #tpu.memory_space<hbm>> -> memref<80x128xi32, #tpu.memory_space<hbm>>
      tpu.wait_dma2 semaphore(%run_scoped3A_70 : memref<!tpu.dma_semaphore, #tpu.memory_space<semaphore_mem>>) src(%dma_wait3A_84 : memref<80x128xi32, #tpu.memory_space<hbm>>) dst(%arg6 : memref<80x128xi32, #tpu.memory_space<vmem>>)
      tpu.yield
    }) : () -> ()
    "tpu.region"() ({
      %run_scoped3A_70 = tpu.sem_alloc : memref<!tpu.dma_semaphore, #tpu.memory_space<semaphore_mem>>
      %dma_start3A = arith.constant 0 : i32
      %dma_start3A_71 = arith.constant 0 : i32
      %dma_start3A_72 = tpu.memref_slice %arg3[%add3A, %dma_start3A, %dma_start3A_71] : memref<32x80x128xi32, #tpu.memory_space<hbm>> -> memref<1x80x128xi32, #tpu.memory_space<hbm>>
      %dma_start3A_73 = tpu.memref_squeeze %dma_start3A_72 : memref<1x80x128xi32, #tpu.memory_space<hbm>> -> memref<80x128xi32, #tpu.memory_space<hbm>>
      %dma_start3A_74 = arith.constant 0 : i32
      %dma_start3A_75 = arith.constant 0 : i32
      %dma_start3A_76 = tpu.memref_slice %arg3[%add3A, %dma_start3A_74, %dma_start3A_75] : memref<32x80x128xi32, #tpu.memory_space<hbm>> -> memref<1x80x128xi32, #tpu.memory_space<hbm>>
      %dma_start3A_77 = tpu.memref_squeeze %dma_start3A_76 : memref<1x80x128xi32, #tpu.memory_space<hbm>> -> memref<80x128xi32, #tpu.memory_space<hbm>>
      tpu.enqueue_dma source(%dma_start3A_77 : memref<80x128xi32, #tpu.memory_space<hbm>>) target(%arg7 : memref<80x128xi32, #tpu.memory_space<vmem>>) target_semaphore(%run_scoped3A_70 : memref<!tpu.dma_semaphore, #tpu.memory_space<semaphore_mem>>)
      %dma_wait3A = arith.constant 0 : i32
      %dma_wait3A_78 = arith.constant 0 : i32
      %dma_wait3A_79 = tpu.memref_slice %arg3[%add3A, %dma_wait3A, %dma_wait3A_78] : memref<32x80x128xi32, #tpu.memory_space<hbm>> -> memref<1x80x128xi32, #tpu.memory_space<hbm>>
      %dma_wait3A_80 = tpu.memref_squeeze %dma_wait3A_79 : memref<1x80x128xi32, #tpu.memory_space<hbm>> -> memref<80x128xi32, #tpu.memory_space<hbm>>
      %dma_wait3A_81 = arith.constant 0 : i32
      %dma_wait3A_82 = arith.constant 0 : i32
      %dma_wait3A_83 = tpu.memref_slice %arg3[%add3A, %dma_wait3A_81, %dma_wait3A_82] : memref<32x80x128xi32, #tpu.memory_space<hbm>> -> memref<1x80x128xi32, #tpu.memory_space<hbm>>
      %dma_wait3A_84 = tpu.memref_squeeze %dma_wait3A_83 : memref<1x80x128xi32, #tpu.memory_space<hbm>> -> memref<80x128xi32, #tpu.memory_space<hbm>>
      tpu.wait_dma2 semaphore(%run_scoped3A_70 : memref<!tpu.dma_semaphore, #tpu.memory_space<semaphore_mem>>) src(%dma_wait3A_84 : memref<80x128xi32, #tpu.memory_space<hbm>>) dst(%arg7 : memref<80x128xi32, #tpu.memory_space<vmem>>)
      tpu.yield
    }) : () -> ()
    %broadcast_in_dim3A = arith.constant 1.000000e+00 : f32
    %broadcast_in_dim3A_1 = vector.broadcast %broadcast_in_dim3A : f32 to vector<16xf32>
    %swap3A = arith.constant 0 : index
    %swap3A_2 = tpu.vector_load %arg8[%swap3A] {strides = array<i32>} : memref<128xf32, #tpu.memory_space<vmem>>, vector<16xf32>,
    %swap3A_3 = vector.shape_cast %swap3A_2 : vector<16xf32> to vector<16xf32>
    %swap3A_4 = vector.shape_cast %broadcast_in_dim3A_1 : vector<16xf32> to vector<16xf32>
    tpu.vector_store %arg8[%swap3A], %swap3A_4 {strides = array<i32>} : memref<128xf32, #tpu.memory_space<vmem>>, vector<16xf32>,
    %broadcast_in_dim3A_5 = arith.constant 1.000000e+00 : f32
    %broadcast_in_dim3A_6 = vector.broadcast %broadcast_in_dim3A_5 : f32 to vector<16xf32>
    %swap3A_7 = arith.constant 16 : index
    %swap3A_8 = tpu.vector_load %arg8[%swap3A_7] {strides = array<i32>} : memref<128xf32, #tpu.memory_space<vmem>>, vector<16xf32>,
    %swap3A_9 = vector.shape_cast %swap3A_8 : vector<16xf32> to vector<16xf32>
    %swap3A_10 = vector.shape_cast %broadcast_in_dim3A_6 : vector<16xf32> to vector<16xf32>
    tpu.vector_store %arg8[%swap3A_7], %swap3A_10 {strides = array<i32>} : memref<128xf32, #tpu.memory_space<vmem>>, vector<16xf32>,
    %broadcast_in_dim3A_11 = arith.constant 1.000000e+00 : f32
    %broadcast_in_dim3A_12 = vector.broadcast %broadcast_in_dim3A_11 : f32 to vector<16xf32>
    %swap3A_13 = arith.constant 32 : index
    %swap3A_14 = tpu.vector_load %arg8[%swap3A_13] {strides = array<i32>} : memref<128xf32, #tpu.memory_space<vmem>>, vector<16xf32>,
    %swap3A_15 = vector.shape_cast %swap3A_14 : vector<16xf32> to vector<16xf32>
    %swap3A_16 = vector.shape_cast %broadcast_in_dim3A_12 : vector<16xf32> to vector<16xf32>
    tpu.vector_store %arg8[%swap3A_13], %swap3A_16 {strides = array<i32>} : memref<128xf32, #tpu.memory_space<vmem>>, vector<16xf32>,
    %broadcast_in_dim3A_17 = arith.constant 1.000000e+00 : f32
    %broadcast_in_dim3A_18 = vector.broadcast %broadcast_in_dim3A_17 : f32 to vector<16xf32>
    %swap3A_19 = arith.constant 48 : index
    %swap3A_20 = tpu.vector_load %arg8[%swap3A_19] {strides = array<i32>} : memref<128xf32, #tpu.memory_space<vmem>>, vector<16xf32>,
    %swap3A_21 = vector.shape_cast %swap3A_20 : vector<16xf32> to vector<16xf32>
    %swap3A_22 = vector.shape_cast %broadcast_in_dim3A_18 : vector<16xf32> to vector<16xf32>
    tpu.vector_store %arg8[%swap3A_19], %swap3A_22 {strides = array<i32>} : memref<128xf32, #tpu.memory_space<vmem>>, vector<16xf32>,
    %broadcast_in_dim3A_23 = arith.constant 1.000000e+00 : f32
    %broadcast_in_dim3A_24 = vector.broadcast %broadcast_in_dim3A_23 : f32 to vector<16xf32>
    %swap3A_25 = arith.constant 64 : index
    %swap3A_26 = tpu.vector_load %arg8[%swap3A_25] {strides = array<i32>} : memref<128xf32, #tpu.memory_space<vmem>>, vector<16xf32>,
    %swap3A_27 = vector.shape_cast %swap3A_26 : vector<16xf32> to vector<16xf32>
    %swap3A_28 = vector.shape_cast %broadcast_in_dim3A_24 : vector<16xf32> to vector<16xf32>
    tpu.vector_store %arg8[%swap3A_25], %swap3A_28 {strides = array<i32>} : memref<128xf32, #tpu.memory_space<vmem>>, vector<16xf32>,
    %broadcast_in_dim3A_29 = arith.constant 1.000000e+00 : f32
    %broadcast_in_dim3A_30 = vector.broadcast %broadcast_in_dim3A_29 : f32 to vector<16xf32>
    %swap3A_31 = arith.constant 80 : index
    %swap3A_32 = tpu.vector_load %arg8[%swap3A_31] {strides = array<i32>} : memref<128xf32, #tpu.memory_space<vmem>>, vector<16xf32>,
    %swap3A_33 = vector.shape_cast %swap3A_32 : vector<16xf32> to vector<16xf32>
    %swap3A_34 = vector.shape_cast %broadcast_in_dim3A_30 : vector<16xf32> to vector<16xf32>
    tpu.vector_store %arg8[%swap3A_31], %swap3A_34 {strides = array<i32>} : memref<128xf32, #tpu.memory_space<vmem>>, vector<16xf32>,
    %broadcast_in_dim3A_35 = arith.constant 1.000000e+00 : f32
    %broadcast_in_dim3A_36 = vector.broadcast %broadcast_in_dim3A_35 : f32 to vector<16xf32>
    %swap3A_37 = arith.constant 96 : index
    %swap3A_38 = tpu.vector_load %arg8[%swap3A_37] {strides = array<i32>} : memref<128xf32, #tpu.memory_space<vmem>>, vector<16xf32>,
    %swap3A_39 = vector.shape_cast %swap3A_38 : vector<16xf32> to vector<16xf32>
    %swap3A_40 = vector.shape_cast %broadcast_in_dim3A_36 : vector<16xf32> to vector<16xf32>
    tpu.vector_store %arg8[%swap3A_37], %swap3A_40 {strides = array<i32>} : memref<128xf32, #tpu.memory_space<vmem>>, vector<16xf32>,
    %broadcast_in_dim3A_41 = arith.constant 1.000000e+00 : f32
    %broadcast_in_dim3A_42 = vector.broadcast %broadcast_in_dim3A_41 : f32 to vector<16xf32>
    %swap3A_43 = arith.constant 112 : index
    %swap3A_44 = tpu.vector_load %arg8[%swap3A_43] {strides = array<i32>} : memref<128xf32, #tpu.memory_space<vmem>>, vector<16xf32>,
    %swap3A_45 = vector.shape_cast %swap3A_44 : vector<16xf32> to vector<16xf32>
    %swap3A_46 = vector.shape_cast %broadcast_in_dim3A_42 : vector<16xf32> to vector<16xf32>
    tpu.vector_store %arg8[%swap3A_43], %swap3A_46 {strides = array<i32>} : memref<128xf32, #tpu.memory_space<vmem>>, vector<16xf32>,
    %mul3A_47 = arith.constant 640 : i32
    %mul3A_48 = arith.muli %arg1, %mul3A_47 : i32
    %mul3A_49 = arith.constant 640 : i32
    %mul3A_50 = arith.muli %arg1, %mul3A_49 : i32
    "tpu.region"() ({
      %run_scoped3A_70 = tpu.sem_alloc : memref<!tpu.dma_semaphore, #tpu.memory_space<semaphore_mem>>
      %dma_start3A = tpu.memref_slice %arg9[%mul3A_50] : memref<10240xf32, #tpu.memory_space<vmem_shared>> -> memref<640xf32, #tpu.memory_space<vmem_shared>>
      %dma_start3A_71 = tpu.memref_slice %arg4[%mul3A_48] : memref<10240xf32, #tpu.memory_space<hbm>> -> memref<640xf32, #tpu.memory_space<hbm>>
      tpu.enqueue_dma source(%dma_start3A_71 : memref<640xf32, #tpu.memory_space<hbm>>) target(%dma_start3A : memref<640xf32, #tpu.memory_space<vmem_shared>>) target_semaphore(%run_scoped3A_70 : memref<!tpu.dma_semaphore, #tpu.memory_space<semaphore_mem>>)
      %dma_wait3A = tpu.memref_slice %arg9[%mul3A_50] : memref<10240xf32, #tpu.memory_space<vmem_shared>> -> memref<640xf32, #tpu.memory_space<vmem_shared>>
      %dma_wait3A_72 = tpu.memref_slice %arg4[%mul3A_48] : memref<10240xf32, #tpu.memory_space<hbm>> -> memref<640xf32, #tpu.memory_space<hbm>>
      tpu.wait_dma2 semaphore(%run_scoped3A_70 : memref<!tpu.dma_semaphore, #tpu.memory_space<semaphore_mem>>) src(%dma_wait3A_72 : memref<640xf32, #tpu.memory_space<hbm>>) dst(%dma_wait3A : memref<640xf32, #tpu.memory_space<vmem_shared>>)
      tpu.yield
    }) : () -> ()
    %mul3A_51 = arith.constant 640 : i32
    %mul3A_52 = arith.muli %arg1, %mul3A_51 : i32
    %mul3A_53 = arith.constant 640 : i32
    %mul3A_54 = arith.muli %arg1, %mul3A_53 : i32
    "tpu.region"() ({
      %run_scoped3A_70 = tpu.sem_alloc : memref<!tpu.dma_semaphore, #tpu.memory_space<semaphore_mem>>
      %dma_start3A = tpu.memref_slice %arg10[%mul3A_54] : memref<10240xf32, #tpu.memory_space<vmem_shared>> -> memref<640xf32, #tpu.memory_space<vmem_shared>>
      %dma_start3A_71 = tpu.memref_slice %arg4[%mul3A_52] : memref<10240xf32, #tpu.memory_space<hbm>> -> memref<640xf32, #tpu.memory_space<hbm>>
      tpu.enqueue_dma source(%dma_start3A_71 : memref<640xf32, #tpu.memory_space<hbm>>) target(%dma_start3A : memref<640xf32, #tpu.memory_space<vmem_shared>>) target_semaphore(%run_scoped3A_70 : memref<!tpu.dma_semaphore, #tpu.memory_space<semaphore_mem>>)
      %dma_wait3A = tpu.memref_slice %arg10[%mul3A_54] : memref<10240xf32, #tpu.memory_space<vmem_shared>> -> memref<640xf32, #tpu.memory_space<vmem_shared>>
      %dma_wait3A_72 = tpu.memref_slice %arg4[%mul3A_52] : memref<10240xf32, #tpu.memory_space<hbm>> -> memref<640xf32, #tpu.memory_space<hbm>>
      tpu.wait_dma2 semaphore(%run_scoped3A_70 : memref<!tpu.dma_semaphore, #tpu.memory_space<semaphore_mem>>) src(%dma_wait3A_72 : memref<640xf32, #tpu.memory_space<hbm>>) dst(%dma_wait3A : memref<640xf32, #tpu.memory_space<vmem_shared>>)
      tpu.yield
    }) : () -> ()
    %barrier3A = arith.constant 0 : index
    tpu.barrier barrier_id(%barrier3A)
    %scan3A = arith.constant 0 : i32
    %scan3A_55 = arith.constant 0 : i32
    %scan3A_56 = arith.constant 80 : i32
    %scan3A_57 = arith.addi %scan3A_55, %scan3A_56 : i32
    %scan3A_58 = arith.constant 1 : i32
    scf.for %scan3A_70 = %scan3A_55 to %scan3A_57 step %scan3A_58  : i32 {
      "tpu.region"() ({
        %run_scoped3A_71 = tpu.sem_alloc : memref<!tpu.dma_semaphore, #tpu.memory_space<semaphore_mem>>
        %dma_start3A = arith.constant 0 : i32
        %dma_start3A_72 = tpu.memref_slice %arg6[%scan3A_70, %dma_start3A] : memref<80x128xi32, #tpu.memory_space<vmem>> -> memref<1x128xi32, #tpu.memory_space<vmem>>
        %dma_start3A_73 = tpu.memref_squeeze %dma_start3A_72 : memref<1x128xi32, #tpu.memory_space<vmem>> -> memref<128xi32, #tpu.memory_space<vmem>>
        %dma_start3A_74 = arith.constant 0 : i32
        %dma_start3A_75 = tpu.memref_slice %arg9[%dma_start3A_74] : memref<10240xf32, #tpu.memory_space<vmem_shared>> -> memref<10240xf32, #tpu.memory_space<vmem_shared>>
        tpu.enqueue_indirect_dma source(%arg8 : memref<128xf32, #tpu.memory_space<vmem>>) target(%dma_start3A_75 : memref<10240xf32, #tpu.memory_space<vmem_shared>>) offsets(%dma_start3A_73 : memref<128xi32, #tpu.memory_space<vmem>>) semaphore(%run_scoped3A_71 : memref<!tpu.dma_semaphore, #tpu.memory_space<semaphore_mem>>) {add = true}
        %dma_wait3A = arith.constant 0 : i32
        %dma_wait3A_76 = tpu.memref_slice %arg6[%scan3A_70, %dma_wait3A] : memref<80x128xi32, #tpu.memory_space<vmem>> -> memref<1x128xi32, #tpu.memory_space<vmem>>
        %dma_wait3A_77 = tpu.memref_squeeze %dma_wait3A_76 : memref<1x128xi32, #tpu.memory_space<vmem>> -> memref<128xi32, #tpu.memory_space<vmem>>
        %dma_wait3A_78 = arith.constant 0 : i32
        %dma_wait3A_79 = tpu.memref_slice %arg9[%dma_wait3A_78] : memref<10240xf32, #tpu.memory_space<vmem_shared>> -> memref<10240xf32, #tpu.memory_space<vmem_shared>>
        tpu.wait_indirect_dma semaphore(%run_scoped3A_71 : memref<!tpu.dma_semaphore, #tpu.memory_space<semaphore_mem>>) src(%arg8 : memref<128xf32, #tpu.memory_space<vmem>>) dst(%dma_wait3A_79 : memref<10240xf32, #tpu.memory_space<vmem_shared>>)
        tpu.yield
      }) : () -> ()
      "tpu.region"() ({
        %run_scoped3A_71 = tpu.sem_alloc : memref<!tpu.dma_semaphore, #tpu.memory_space<semaphore_mem>>
        %dma_start3A = arith.constant 0 : i32
        %dma_start3A_72 = tpu.memref_slice %arg7[%scan3A_70, %dma_start3A] : memref<80x128xi32, #tpu.memory_space<vmem>> -> memref<1x128xi32, #tpu.memory_space<vmem>>
        %dma_start3A_73 = tpu.memref_squeeze %dma_start3A_72 : memref<1x128xi32, #tpu.memory_space<vmem>> -> memref<128xi32, #tpu.memory_space<vmem>>
        %dma_start3A_74 = arith.constant 0 : i32
        %dma_start3A_75 = tpu.memref_slice %arg10[%dma_start3A_74] : memref<10240xf32, #tpu.memory_space<vmem_shared>> -> memref<10240xf32, #tpu.memory_space<vmem_shared>>
        tpu.enqueue_indirect_dma source(%arg8 : memref<128xf32, #tpu.memory_space<vmem>>) target(%dma_start3A_75 : memref<10240xf32, #tpu.memory_space<vmem_shared>>) offsets(%dma_start3A_73 : memref<128xi32, #tpu.memory_space<vmem>>) semaphore(%run_scoped3A_71 : memref<!tpu.dma_semaphore, #tpu.memory_space<semaphore_mem>>) {add = true}
        %dma_wait3A = arith.constant 0 : i32
        %dma_wait3A_76 = tpu.memref_slice %arg7[%scan3A_70, %dma_wait3A] : memref<80x128xi32, #tpu.memory_space<vmem>> -> memref<1x128xi32, #tpu.memory_space<vmem>>
        %dma_wait3A_77 = tpu.memref_squeeze %dma_wait3A_76 : memref<1x128xi32, #tpu.memory_space<vmem>> -> memref<128xi32, #tpu.memory_space<vmem>>
        %dma_wait3A_78 = arith.constant 0 : i32
        %dma_wait3A_79 = tpu.memref_slice %arg10[%dma_wait3A_78] : memref<10240xf32, #tpu.memory_space<vmem_shared>> -> memref<10240xf32, #tpu.memory_space<vmem_shared>>
        tpu.wait_indirect_dma semaphore(%run_scoped3A_71 : memref<!tpu.dma_semaphore, #tpu.memory_space<semaphore_mem>>) src(%arg8 : memref<128xf32, #tpu.memory_space<vmem>>) dst(%dma_wait3A_79 : memref<10240xf32, #tpu.memory_space<vmem_shared>>)
        tpu.yield
      }) : () -> ()
    }
    %scan3A_59 = arith.constant 80 : i32
    %barrier3A_60 = arith.constant 0 : index
    tpu.barrier barrier_id(%barrier3A_60)
    %mul3A_61 = arith.constant 640 : i32
    %mul3A_62 = arith.muli %arg1, %mul3A_61 : i32
    %mul3A_63 = arith.constant 640 : i32
    %mul3A_64 = arith.muli %arg1, %mul3A_63 : i32
    %run_scoped3A = arith.constant 0 : i32
    "tpu.region"() ({
      %run_scoped3A_70 = tpu.sem_alloc : memref<!tpu.dma_semaphore, #tpu.memory_space<semaphore_mem>>
      %dma_start3A = tpu.memref_slice %arg5[%arg0, %run_scoped3A, %mul3A_64] : memref<2x2x10240xf32, #tpu.memory_space<hbm>> -> memref<1x1x640xf32, #tpu.memory_space<hbm>>
      %dma_start3A_71 = tpu.memref_squeeze %dma_start3A : memref<1x1x640xf32, #tpu.memory_space<hbm>> -> memref<640xf32, #tpu.memory_space<hbm>>
      %dma_start3A_72 = tpu.memref_slice %arg9[%mul3A_62] : memref<10240xf32, #tpu.memory_space<vmem_shared>> -> memref<640xf32, #tpu.memory_space<vmem_shared>>
      tpu.enqueue_dma source(%dma_start3A_72 : memref<640xf32, #tpu.memory_space<vmem_shared>>) target(%dma_start3A_71 : memref<640xf32, #tpu.memory_space<hbm>>) target_semaphore(%run_scoped3A_70 : memref<!tpu.dma_semaphore, #tpu.memory_space<semaphore_mem>>)
      %dma_wait3A = tpu.memref_slice %arg5[%arg0, %run_scoped3A, %mul3A_64] : memref<2x2x10240xf32, #tpu.memory_space<hbm>> -> memref<1x1x640xf32, #tpu.memory_space<hbm>>
      %dma_wait3A_73 = tpu.memref_squeeze %dma_wait3A : memref<1x1x640xf32, #tpu.memory_space<hbm>> -> memref<640xf32, #tpu.memory_space<hbm>>
      %dma_wait3A_74 = tpu.memref_slice %arg9[%mul3A_62] : memref<10240xf32, #tpu.memory_space<vmem_shared>> -> memref<640xf32, #tpu.memory_space<vmem_shared>>
      tpu.wait_dma2 semaphore(%run_scoped3A_70 : memref<!tpu.dma_semaphore, #tpu.memory_space<semaphore_mem>>) src(%dma_wait3A_74 : memref<640xf32, #tpu.memory_space<vmem_shared>>) dst(%dma_wait3A_73 : memref<640xf32, #tpu.memory_space<hbm>>)
      tpu.yield
    }) : () -> ()
    %mul3A_65 = arith.constant 640 : i32
    %mul3A_66 = arith.muli %arg1, %mul3A_65 : i32
    %mul3A_67 = arith.constant 640 : i32
    %mul3A_68 = arith.muli %arg1, %mul3A_67 : i32
    %run_scoped3A_69 = arith.constant 1 : i32
    "tpu.region"() ({
      %run_scoped3A_70 = tpu.sem_alloc : memref<!tpu.dma_semaphore, #tpu.memory_space<semaphore_mem>>
      %dma_start3A = tpu.memref_slice %arg5[%arg0, %run_scoped3A_69, %mul3A_68] : memref<2x2x10240xf32, #tpu.memory_space<hbm>> -> memref<1x1x640xf32, #tpu.memory_space<hbm>>
      %dma_start3A_71 = tpu.memref_squeeze %dma_start3A : memref<1x1x640xf32, #tpu.memory_space<hbm>> -> memref<640xf32, #tpu.memory_space<hbm>>
      %dma_start3A_72 = tpu.memref_slice %arg10[%mul3A_66] : memref<10240xf32, #tpu.memory_space<vmem_shared>> -> memref<640xf32, #tpu.memory_space<vmem_shared>>
      tpu.enqueue_dma source(%dma_start3A_72 : memref<640xf32, #tpu.memory_space<vmem_shared>>) target(%dma_start3A_71 : memref<640xf32, #tpu.memory_space<hbm>>) target_semaphore(%run_scoped3A_70 : memref<!tpu.dma_semaphore, #tpu.memory_space<semaphore_mem>>)
      %dma_wait3A = tpu.memref_slice %arg5[%arg0, %run_scoped3A_69, %mul3A_68] : memref<2x2x10240xf32, #tpu.memory_space<hbm>> -> memref<1x1x640xf32, #tpu.memory_space<hbm>>
      %dma_wait3A_73 = tpu.memref_squeeze %dma_wait3A : memref<1x1x640xf32, #tpu.memory_space<hbm>> -> memref<640xf32, #tpu.memory_space<hbm>>
      %dma_wait3A_74 = tpu.memref_slice %arg10[%mul3A_66] : memref<10240xf32, #tpu.memory_space<vmem_shared>> -> memref<640xf32, #tpu.memory_space<vmem_shared>>
      tpu.wait_dma2 semaphore(%run_scoped3A_70 : memref<!tpu.dma_semaphore, #tpu.memory_space<semaphore_mem>>) src(%dma_wait3A_74 : memref<640xf32, #tpu.memory_space<vmem_shared>>) dst(%dma_wait3A_73 : memref<640xf32, #tpu.memory_space<hbm>>)
      tpu.yield
    }) : () -> ()
    return
  }
}

module attributes {stable_mosaic.version = 14 : i64} {
  func.func @_prescale_body(%arg0: memref<10240x128xf32, #tpu.memory_space<vmem>>, %arg1: memref<10240x1xf32, #tpu.memory_space<vmem>>, %arg2: memref<10240x1xf32, #tpu.memory_space<vmem>>, %arg3: memref<10240x128xf32, #tpu.memory_space<vmem>>, %arg4: memref<10240x1xf32, #tpu.memory_space<vmem>>) attributes {dimension_semantics = [], scalar_prefetch = 0 : i64, scratch_operands = 0 : i64, tpu.core_type = #tpu.core_type<tc>} {
    %get3A = arith.constant 0 : index
    %get3A_0 = arith.constant 0 : index
    %get3A_1 = vector.load %arg1[%get3A, %get3A_0] : memref<10240x1xf32, #tpu.memory_space<vmem>>, vector<10240x1xf32>
    %max3A = arith.constant 1.000000e+00 : f32
    %max3A_2 = vector.broadcast %max3A : f32 to vector<10240x1xf32>
    %max3A_3 = arith.maximumf %get3A_1, %max3A_2 : vector<10240x1xf32>
    %rsqrt3A = math.rsqrt %max3A_3 : vector<10240x1xf32>
    %get3A_4 = arith.constant 0 : index
    %get3A_5 = arith.constant 0 : index
    %get3A_6 = vector.load %arg0[%get3A_4, %get3A_5] : memref<10240x128xf32, #tpu.memory_space<vmem>>, vector<10240x128xf32>
    %mul3A = vector.broadcast %rsqrt3A : vector<10240x1xf32> to vector<10240x128xf32>
    %mul3A_7 = arith.mulf %get3A_6, %mul3A : vector<10240x128xf32>
    %swap3A = arith.constant 0 : index
    %swap3A_8 = arith.constant 0 : index
    %swap3A_9 = vector.load %arg3[%swap3A, %swap3A_8] : memref<10240x128xf32, #tpu.memory_space<vmem>>, vector<10240x128xf32>
    tpu.vector_store %arg3[%swap3A, %swap3A_8], %mul3A_7 {strides = array<i32>} : memref<10240x128xf32, #tpu.memory_space<vmem>>, vector<10240x128xf32>,
    %get3A_10 = arith.constant 0 : index
    %get3A_11 = arith.constant 0 : index
    %get3A_12 = vector.load %arg2[%get3A_10, %get3A_11] : memref<10240x1xf32, #tpu.memory_space<vmem>>, vector<10240x1xf32>
    %max3A_13 = arith.constant 1.000000e+00 : f32
    %max3A_14 = vector.broadcast %max3A_13 : f32 to vector<10240x1xf32>
    %max3A_15 = arith.maximumf %get3A_12, %max3A_14 : vector<10240x1xf32>
    %rsqrt3A_16 = math.rsqrt %max3A_15 : vector<10240x1xf32>
    %swap3A_17 = arith.constant 0 : index
    %swap3A_18 = arith.constant 0 : index
    %swap3A_19 = vector.load %arg4[%swap3A_17, %swap3A_18] : memref<10240x1xf32, #tpu.memory_space<vmem>>, vector<10240x1xf32>
    tpu.vector_store %arg4[%swap3A_17, %swap3A_18], %rsqrt3A_16 {strides = array<i32>} : memref<10240x1xf32, #tpu.memory_space<vmem>>, vector<10240x1xf32>,
    return
  }
}

module attributes {stable_mosaic.version = 14 : i64} {
  func.func @_tail_body(%arg0: i32, %arg1: memref<2x1024x128xf32, #tpu.memory_space<vmem>>, %arg2: memref<1024x1xf32, #tpu.memory_space<vmem>>, %arg3: memref<1024x1xf32, #tpu.memory_space<vmem>>, %arg4: memref<128x128xf32, #tpu.memory_space<vmem>>, %arg5: memref<1x128xf32, #tpu.memory_space<vmem>>, %arg6: memref<128x256xf32, #tpu.memory_space<vmem>>, %arg7: memref<1x256xf32, #tpu.memory_space<vmem>>, %arg8: memref<1x256xf32, #tpu.memory_space<vmem>>, %arg9: memref<1x128xf32, #tpu.memory_space<vmem>>, %arg10: memref<1x1xf32, #tpu.memory_space<vmem>>, %arg11: memref<1x256xf32, #tpu.memory_space<vmem>>, %arg12: memref<1x256xf32, #tpu.memory_space<vmem>>, %arg13: memref<1x1xf32, #tpu.memory_space<vmem>>, %arg14: memref<1x1xf32, #tpu.memory_space<vmem>>, %arg15: memref<1024x1xf32, #tpu.memory_space<vmem>>) attributes {dimension_semantics = [#tpu.dimension_semantics<arbitrary>], iteration_bounds = array<i64: 10>, scalar_prefetch = 0 : i64, scratch_operands = 0 : i64, tpu.core_type = #tpu.core_type<tc>, window_params = [{transform_indices = @transform_0, window_bounds = array<i64: 2, 1024, 128>}, {transform_indices = @transform_1, window_bounds = array<i64: 1024, 1>}, {transform_indices = @transform_2, window_bounds = array<i64: 1024, 1>}, {pipeline_mode = #tpu.pipeline_mode<synchronous>, transform_indices = @transform_3, window_bounds = array<i64: 128, 128>}, {pipeline_mode = #tpu.pipeline_mode<synchronous>, transform_indices = @transform_4, window_bounds = array<i64: 1, 128>}, {pipeline_mode = #tpu.pipeline_mode<synchronous>, transform_indices = @transform_5, window_bounds = array<i64: 128, 256>}, {pipeline_mode = #tpu.pipeline_mode<synchronous>, transform_indices = @transform_6, window_bounds = array<i64: 1, 256>}, {pipeline_mode = #tpu.pipeline_mode<synchronous>, transform_indices = @transform_7, window_bounds = array<i64: 1, 256>}, {pipeline_mode = #tpu.pipeline_mode<synchronous>, transform_indices = @transform_8, window_bounds = array<i64: 1, 128>}, {pipeline_mode = #tpu.pipeline_mode<synchronous>, transform_indices = @transform_9, window_bounds = array<i64: 1, 1>}, {pipeline_mode = #tpu.pipeline_mode<synchronous>, transform_indices = @transform_10, window_bounds = array<i64: 1, 256>}, {pipeline_mode = #tpu.pipeline_mode<synchronous>, transform_indices = @transform_11, window_bounds = array<i64: 1, 256>}, {pipeline_mode = #tpu.pipeline_mode<synchronous>, transform_indices = @transform_12, window_bounds = array<i64: 1, 1>}, {pipeline_mode = #tpu.pipeline_mode<synchronous>, transform_indices = @transform_13, window_bounds = array<i64: 1, 1>}, {transform_indices = @transform_14, window_bounds = array<i64: 1024, 1>}]} {
    %get3A = arith.constant 0 : index
    %get3A_0 = arith.constant 0 : index
    %get3A_1 = arith.constant 0 : index
    %get3A_2 = vector.load %arg1[%get3A, %get3A_0, %get3A_1] : memref<2x1024x128xf32, #tpu.memory_space<vmem>>, vector<1x1024x128xf32>
    %get3A_3 = vector.shape_cast %get3A_2 : vector<1x1024x128xf32> to vector<1024x128xf32>
    %get3A_4 = arith.constant 1 : index
    %get3A_5 = arith.constant 0 : index
    %get3A_6 = arith.constant 0 : index
    %get3A_7 = vector.load %arg1[%get3A_4, %get3A_5, %get3A_6] : memref<2x1024x128xf32, #tpu.memory_space<vmem>>, vector<1x1024x128xf32>
    %get3A_8 = vector.shape_cast %get3A_7 : vector<1x1024x128xf32> to vector<1024x128xf32>
    %add3A = arith.addf %get3A_3, %get3A_8 : vector<1024x128xf32>
    %get3A_9 = arith.constant 0 : index
    %get3A_10 = arith.constant 0 : index
    %get3A_11 = vector.load %arg2[%get3A_9, %get3A_10] : memref<1024x1xf32, #tpu.memory_space<vmem>>, vector<1024x1xf32>
    %mul3A = vector.broadcast %get3A_11 : vector<1024x1xf32> to vector<1024x128xf32>
    %mul3A_12 = arith.mulf %add3A, %mul3A : vector<1024x128xf32>
    %get3A_13 = arith.constant 0 : index
    %get3A_14 = arith.constant 0 : index
    %get3A_15 = vector.load %arg4[%get3A_13, %get3A_14] : memref<128x128xf32, #tpu.memory_space<vmem>>, vector<128x128xf32>
    %dot_general3A = arith.constant dense<0.000000e+00> : vector<1024x128xf32>
    %dot_general3A_16 = tpu.matmul %mul3A_12, %get3A_15, %dot_general3A {dimension_numbers = #tpu.dot_dimension_numbers<[1], [0], [0], [1], [0, 0, 1, 1], [], []>, transpose_lhs_hint = false} : vector<1024x128xf32>, vector<128x128xf32>, vector<1024x128xf32> -> vector<1024x128xf32>
    %get3A_17 = arith.constant 0 : index
    %get3A_18 = arith.constant 0 : index
    %get3A_19 = vector.load %arg5[%get3A_17, %get3A_18] : memref<1x128xf32, #tpu.memory_space<vmem>>, vector<1x128xf32>
    %add3A_20 = vector.broadcast %get3A_19 : vector<1x128xf32> to vector<1024x128xf32>
    %add3A_21 = arith.addf %dot_general3A_16, %add3A_20 : vector<1024x128xf32>
    %ge3A = arith.constant 0.000000e+00 : f32
    %ge3A_22 = vector.broadcast %ge3A : f32 to vector<1024x128xf32>
    %ge3A_23 = arith.cmpf oge, %add3A_21, %ge3A_22 : vector<1024x128xf32>
    %mul3A_24 = arith.constant 0.00999999977 : f32
    %mul3A_25 = vector.broadcast %mul3A_24 : f32 to vector<1024x128xf32>
    %mul3A_26 = arith.mulf %mul3A_25, %add3A_21 : vector<1024x128xf32>
    %select_n3A = arith.select %ge3A_23, %add3A_21, %mul3A_26 : vector<1024x128xi1>, vector<1024x128xf32>
    %get3A_27 = arith.constant 0 : index
    %get3A_28 = arith.constant 0 : index
    %get3A_29 = vector.load %arg6[%get3A_27, %get3A_28] : memref<128x256xf32, #tpu.memory_space<vmem>>, vector<128x256xf32>
    %dot_general3A_30 = arith.constant dense<0.000000e+00> : vector<1024x256xf32>
    %dot_general3A_31 = tpu.matmul %select_n3A, %get3A_29, %dot_general3A_30 {dimension_numbers = #tpu.dot_dimension_numbers<[1], [0], [0], [1], [0, 0, 1, 1], [], []>, transpose_lhs_hint = false} : vector<1024x128xf32>, vector<128x256xf32>, vector<1024x256xf32> -> vector<1024x256xf32>
    %get3A_32 = arith.constant 0 : index
    %get3A_33 = arith.constant 0 : index
    %get3A_34 = vector.load %arg7[%get3A_32, %get3A_33] : memref<1x256xf32, #tpu.memory_space<vmem>>, vector<1x256xf32>
    %add3A_35 = vector.broadcast %get3A_34 : vector<1x256xf32> to vector<1024x256xf32>
    %add3A_36 = arith.addf %dot_general3A_31, %add3A_35 : vector<1024x256xf32>
    %tanh3A = math.tanh %add3A_36 : vector<1024x256xf32>
    %get3A_37 = arith.constant 0 : index
    %get3A_38 = arith.constant 0 : index
    %get3A_39 = vector.load %arg3[%get3A_37, %get3A_38] : memref<1024x1xf32, #tpu.memory_space<vmem>>, vector<1024x1xf32>
    %get3A_40 = arith.constant 0 : index
    %get3A_41 = arith.constant 0 : index
    %get3A_42 = vector.load %arg11[%get3A_40, %get3A_41] : memref<1x256xf32, #tpu.memory_space<vmem>>, vector<1x256xf32>
    %mul3A_43 = vector.broadcast %get3A_39 : vector<1024x1xf32> to vector<1024x256xf32>
    %mul3A_44 = vector.broadcast %get3A_42 : vector<1x256xf32> to vector<1024x256xf32>
    %mul3A_45 = arith.mulf %mul3A_43, %mul3A_44 : vector<1024x256xf32>
    %get3A_46 = arith.constant 0 : index
    %get3A_47 = arith.constant 0 : index
    %get3A_48 = vector.load %arg12[%get3A_46, %get3A_47] : memref<1x256xf32, #tpu.memory_space<vmem>>, vector<1x256xf32>
    %add3A_49 = vector.broadcast %get3A_48 : vector<1x256xf32> to vector<1024x256xf32>
    %add3A_50 = arith.addf %mul3A_45, %add3A_49 : vector<1024x256xf32>
    %tanh3A_51 = math.tanh %add3A_50 : vector<1024x256xf32>
    %get3A_52 = arith.constant 0 : index
    %get3A_53 = arith.constant 0 : index
    %get3A_54 = vector.load %arg8[%get3A_52, %get3A_53] : memref<1x256xf32, #tpu.memory_space<vmem>>, vector<1x256xf32>
    %mul3A_55 = vector.broadcast %get3A_54 : vector<1x256xf32> to vector<1024x256xf32>
    %mul3A_56 = arith.mulf %tanh3A, %mul3A_55 : vector<1024x256xf32>
    %reduce_sum3A = arith.constant dense<0.000000e+00> : vector<1024xf32>
    %reduce_sum3A_57 = vector.multi_reduction <add>, %mul3A_56, %reduce_sum3A [1] : vector<1024x256xf32> to vector<1024xf32>
    %broadcast_in_dim3A = vector.shape_cast %reduce_sum3A_57 : vector<1024xf32> to vector<1024x1xf32>
    %get3A_58 = arith.constant 0 : index
    %get3A_59 = arith.constant 0 : index
    %get3A_60 = vector.load %arg8[%get3A_58, %get3A_59] : memref<1x256xf32, #tpu.memory_space<vmem>>, vector<1x256xf32>
    %mul3A_61 = vector.broadcast %get3A_60 : vector<1x256xf32> to vector<1024x256xf32>
    %mul3A_62 = arith.mulf %tanh3A_51, %mul3A_61 : vector<1024x256xf32>
    %reduce_sum3A_63 = arith.constant dense<0.000000e+00> : vector<1024xf32>
    %reduce_sum3A_64 = vector.multi_reduction <add>, %mul3A_62, %reduce_sum3A_63 [1] : vector<1024x256xf32> to vector<1024xf32>
    %broadcast_in_dim3A_65 = vector.shape_cast %reduce_sum3A_64 : vector<1024xf32> to vector<1024x1xf32>
    %max3A = arith.maximumf %broadcast_in_dim3A, %broadcast_in_dim3A_65 : vector<1024x1xf32>
    %sub3A = arith.subf %broadcast_in_dim3A, %max3A : vector<1024x1xf32>
    %exp3A = math.exp %sub3A : vector<1024x1xf32>
    %sub3A_66 = arith.subf %broadcast_in_dim3A_65, %max3A : vector<1024x1xf32>
    %exp3A_67 = math.exp %sub3A_66 : vector<1024x1xf32>
    %get3A_68 = arith.constant 0 : index
    %get3A_69 = arith.constant 0 : index
    %get3A_70 = vector.load %arg9[%get3A_68, %get3A_69] : memref<1x128xf32, #tpu.memory_space<vmem>>, vector<1x128xf32>
    %mul3A_71 = vector.broadcast %get3A_70 : vector<1x128xf32> to vector<1024x128xf32>
    %mul3A_72 = arith.mulf %select_n3A, %mul3A_71 : vector<1024x128xf32>
    %reduce_sum3A_73 = arith.constant dense<0.000000e+00> : vector<1024xf32>
    %reduce_sum3A_74 = vector.multi_reduction <add>, %mul3A_72, %reduce_sum3A_73 [1] : vector<1024x128xf32> to vector<1024xf32>
    %broadcast_in_dim3A_75 = vector.shape_cast %reduce_sum3A_74 : vector<1024xf32> to vector<1024x1xf32>
    %get3A_76 = arith.constant 0 : index
    %get3A_77 = arith.constant 0 : index
    %get3A_78 = vector.load %arg3[%get3A_76, %get3A_77] : memref<1024x1xf32, #tpu.memory_space<vmem>>, vector<1024x1xf32>
    %get3A_79 = arith.constant 0 : index
    %get3A_80 = arith.constant 0 : index
    %get3A_81 = vector.load %arg13[%get3A_79, %get3A_80] : memref<1x1xf32, #tpu.memory_space<vmem>>, vector<1x1xf32>
    %mul3A_82 = vector.broadcast %get3A_81 : vector<1x1xf32> to vector<1024x1xf32>
    %mul3A_83 = arith.mulf %get3A_78, %mul3A_82 : vector<1024x1xf32>
    %get3A_84 = arith.constant 0 : index
    %get3A_85 = arith.constant 0 : index
    %get3A_86 = vector.load %arg14[%get3A_84, %get3A_85] : memref<1x1xf32, #tpu.memory_space<vmem>>, vector<1x1xf32>
    %add3A_87 = vector.broadcast %get3A_86 : vector<1x1xf32> to vector<1024x1xf32>
    %add3A_88 = arith.addf %mul3A_83, %add3A_87 : vector<1024x1xf32>
    %mul3A_89 = arith.mulf %exp3A, %broadcast_in_dim3A_75 : vector<1024x1xf32>
    %mul3A_90 = arith.mulf %exp3A_67, %add3A_88 : vector<1024x1xf32>
    %add3A_91 = arith.addf %mul3A_89, %mul3A_90 : vector<1024x1xf32>
    %add3A_92 = arith.addf %exp3A, %exp3A_67 : vector<1024x1xf32>
    %div3A = arith.divf %add3A_91, %add3A_92 : vector<1024x1xf32>
    %get3A_93 = arith.constant 0 : index
    %get3A_94 = arith.constant 0 : index
    %get3A_95 = vector.load %arg10[%get3A_93, %get3A_94] : memref<1x1xf32, #tpu.memory_space<vmem>>, vector<1x1xf32>
    %add3A_96 = vector.broadcast %get3A_95 : vector<1x1xf32> to vector<1024x1xf32>
    %add3A_97 = arith.addf %div3A, %add3A_96 : vector<1024x1xf32>
    %swap3A = arith.constant 0 : index
    %swap3A_98 = arith.constant 0 : index
    %swap3A_99 = vector.load %arg15[%swap3A, %swap3A_98] : memref<1024x1xf32, #tpu.memory_space<vmem>>, vector<1024x1xf32>
    tpu.vector_store %arg15[%swap3A, %swap3A_98], %add3A_97 {strides = array<i32>} : memref<1024x1xf32, #tpu.memory_space<vmem>>, vector<1024x1xf32>,
    return
  }
  func.func @transform_0(%arg0: i32) -> (i32, i32, i32) {
    %c0_i32 = arith.constant 0 : i32
    %c0_i32_0 = arith.constant 0 : i32
    %c0_i32_1 = arith.constant 0 : i32
    return %c0_i32, %arg0, %c0_i32_0 : i32, i32, i32
  }
  func.func @transform_1(%arg0: i32) -> (i32, i32) {
    %c0_i32 = arith.constant 0 : i32
    %c0_i32_0 = arith.constant 0 : i32
    return %arg0, %c0_i32 : i32, i32
  }
  func.func @transform_2(%arg0: i32) -> (i32, i32) {
    %c0_i32 = arith.constant 0 : i32
    %c0_i32_0 = arith.constant 0 : i32
    return %arg0, %c0_i32 : i32, i32
  }
  func.func @transform_3(%arg0: i32) -> (i32, i32) {
    %c0_i32 = arith.constant 0 : i32
    %c0_i32_0 = arith.constant 0 : i32
    %c0_i32_1 = arith.constant 0 : i32
    return %c0_i32, %c0_i32_0 : i32, i32
  }
  func.func @transform_4(%arg0: i32) -> (i32, i32) {
    %c0_i32 = arith.constant 0 : i32
    %c0_i32_0 = arith.constant 0 : i32
    %c0_i32_1 = arith.constant 0 : i32
    return %c0_i32, %c0_i32_0 : i32, i32
  }
  func.func @transform_5(%arg0: i32) -> (i32, i32) {
    %c0_i32 = arith.constant 0 : i32
    %c0_i32_0 = arith.constant 0 : i32
    %c0_i32_1 = arith.constant 0 : i32
    return %c0_i32, %c0_i32_0 : i32, i32
  }
  func.func @transform_6(%arg0: i32) -> (i32, i32) {
    %c0_i32 = arith.constant 0 : i32
    %c0_i32_0 = arith.constant 0 : i32
    %c0_i32_1 = arith.constant 0 : i32
    return %c0_i32, %c0_i32_0 : i32, i32
  }
  func.func @transform_7(%arg0: i32) -> (i32, i32) {
    %c0_i32 = arith.constant 0 : i32
    %c0_i32_0 = arith.constant 0 : i32
    %c0_i32_1 = arith.constant 0 : i32
    return %c0_i32, %c0_i32_0 : i32, i32
  }
  func.func @transform_8(%arg0: i32) -> (i32, i32) {
    %c0_i32 = arith.constant 0 : i32
    %c0_i32_0 = arith.constant 0 : i32
    %c0_i32_1 = arith.constant 0 : i32
    return %c0_i32, %c0_i32_0 : i32, i32
  }
  func.func @transform_9(%arg0: i32) -> (i32, i32) {
    %c0_i32 = arith.constant 0 : i32
    %c0_i32_0 = arith.constant 0 : i32
    %c0_i32_1 = arith.constant 0 : i32
    return %c0_i32, %c0_i32_0 : i32, i32
  }
  func.func @transform_10(%arg0: i32) -> (i32, i32) {
    %c0_i32 = arith.constant 0 : i32
    %c0_i32_0 = arith.constant 0 : i32
    %c0_i32_1 = arith.constant 0 : i32
    return %c0_i32, %c0_i32_0 : i32, i32
  }
  func.func @transform_11(%arg0: i32) -> (i32, i32) {
    %c0_i32 = arith.constant 0 : i32
    %c0_i32_0 = arith.constant 0 : i32
    %c0_i32_1 = arith.constant 0 : i32
    return %c0_i32, %c0_i32_0 : i32, i32
  }
  func.func @transform_12(%arg0: i32) -> (i32, i32) {
    %c0_i32 = arith.constant 0 : i32
    %c0_i32_0 = arith.constant 0 : i32
    %c0_i32_1 = arith.constant 0 : i32
    return %c0_i32, %c0_i32_0 : i32, i32
  }
  func.func @transform_13(%arg0: i32) -> (i32, i32) {
    %c0_i32 = arith.constant 0 : i32
    %c0_i32_0 = arith.constant 0 : i32
    %c0_i32_1 = arith.constant 0 : i32
    return %c0_i32, %c0_i32_0 : i32, i32
  }
  func.func @transform_14(%arg0: i32) -> (i32, i32) {
    %c0_i32 = arith.constant 0 : i32
    %c0_i32_0 = arith.constant 0 : i32
    return %arg0, %c0_i32 : i32, i32
  }
}

</mosaic_0001>

<sc_bundles>
// kernel: kernel.6.cloned.1.call-start
scs
__scs_entry_jumppad:
0x0: {  	(pc) =	sbr.rel $0x88, $3  }
0x1: {  	(tag) =	ssettag $0x0;
	lr =	simm.s32 $0x1  }
0x2: {  	[smem:$0x3F95] =	sst lr;
	_ =	strace $0xD0000000  }
0x3: {  	_ = 	snop  }
0x4: {  	_ = 	snop  }
0x5: {  	_ = 	snop  }
0x6: {  	_ = 	snop  }
0x7: {  	_ = 	snop  }
__scs_overlays_trampoline_lowered:
0x8: {  	[smem:$0x3FA4] =	sst s0  }
0x9: {  	[smem:$0x3FA5] =	sst s1  }
0xa: {  	[smem:$0x3FA6] =	sst s2  }
0xb: {  	[smem:$0x3FA7] =	sst s3  }
0xc: {  	[smem:$0x3FA8] =	sst s4  }
0xd: {  	[smem:$0x3FA9] =	sst s5  }
0xe: {  	[smem:$0x3FAA] =	sst s6  }
0xf: {  	[smem:$0x3FAB] =	sst s7  }
0x10: {  	[smem:$0x3FAC] =	sst s8  }
0x11: {  	[smem:$0x3FAD] =	sst s9;
	s0 =	simm.s32 @!p0 $0x0  }
0x12: {  	s1 =	sld [smem:$0x3F93];
	s0 =	simm.s32 @p0 $0x1  }
0x13: {  	[smem:$0x3FAE] =	sst s0;
	s0 =	simm.s32 @!p1 $0x0  }
0x14: {  	s2 =	sld [smem:$0x3F92];
	s0 =	simm.s32 @p1 $0x1  }
0x15: {  	[smem:$0x3FAF] =	sst s0;
	s0 =	simm.s32 @!p2 $0x0  }
0x16: {  	s3 =	sld [smem:$0x3FDB];
	s0 =	simm.s32 @p2 $0x1  }
0x17: {  	s4 =	simm.s32 $0x1BF5;
	[smem:$0x3FB1] =	sst s0  }
0x18: {  	s0 =	sld [smem:$0x3F94];
	_ =	swait.ge [sflag:s4], $0x0  }
0x19: {  	s7 =	sld [smem:$0x3F95]  }
0x1a: {  	s8 =	sadd.s32 $0xFFFFE003, lr  }
0x1b: {  	s9 =	sadd.s32 $0xFFFFFEF7, lr;
	s5 =	simm.s32 $0xFFFFFFFF;
	p2 =	slt.u32 s8, $0xFFFFF086  }
0x1c: {  	p1 =	slt.u32 s9, $0xF7A;
	s5 =	simm.s32 @!p2 $0x0  }
0x1d: {  	s5 =	simm.s32 @p1 $0x1;
	p0 =	seq.s32 s7, s2  }
0x1e: {  	s7 =	smul.u32 @!p0 $0xF7A, s2;
	p2 =	seq.s32 @!p0 s5, $0x0  }
0x1f: {  	s9 =	smul.u32 $0xF7A, s1;
	s8 =	simm.s32 @!p0 $0x1BF5;
	p2 =	por !p2, p0  }
0x20: {  	[sflag:s8] =	ssyncset.s32 @!p0 $0xFFFFF086;
	s6 =	sadd.s32 @!p0 s3, s7;
	s7 =	simm.s32 @!p0 $0x108  }
0x21: {  	s3 =	sadd.s32 s3, s9;
	s6 =	sadd.s32 @!p0 $0x88, s6;
	s7 =	simm.s32 @p2 $0x1082  }
0x22: {  	[simem:s7], [sflag:s8] =	dma.local @!p0 [hbm:s6], $0xF7A  }
0x23: {  	s9 =	sor.u32 $0xD0000000, s2;
	s6 =	simm.s32 $0x108;
	_ =	swait.ge @!p0 [sflag:s8], $0x0  }
0x24: {  	s3 =	sadd.s32 $0x88, s3;
	s6 =	simm.s32 @!p1 $0x1082;
	[sflag:s4] =	ssyncset.s32 $0xFFFFF086  }
0x25: {  	[simem:s6], [sflag:s4] =	dma.local [hbm:s3], $0xF7A  }
0x26: {  	[smem:$0x3F95] =	sst s1;
	(tag) =	ssettag s2;
	_ =	strace s9  }
0x27: {  	s1 =	sld [smem:$0x3FA5]  }
0x28: {  	s2 =	sld [smem:$0x3FA6]  }
0x29: {  	s4 =	sld [smem:$0x3FA8]  }
0x2a: {  	p0 =	seq.s32 s5, $0x0;
	s5 =	sld [smem:$0x3FA9]  }
0x2b: {  	s6 =	sld [smem:$0x3FAA]  }
0x2c: {  	s7 =	sld [smem:$0x3FAB]  }
0x2d: {  	s3 =	simm.s32 $0x108;
	s8 =	sld [smem:$0x3FAC]  }
0x2e: {  	s3 =	simm.s32 @!p0 $0x1082;
	s9 =	sld [smem:$0x3FAD]  }
0x2f: {  	lr =	sadd.s32 s0, s3;
	s0 =	sld [smem:$0x3FA4]  }
0x30: {  	s3 =	sld [smem:$0x3FA7]  }
0x31: {  	[smem:$0x3FB0] =	sst s10  }
0x32: {  	s10 =	sld [smem:$0x3FAE];
	_ =	sdelay $0x3  }
0x33: {  	p0 =	seq.s32 s10, $0x1;
	s10 =	sld [smem:$0x3FB0];
	_ =	sdelay $0x3  }
0x34: {  	[smem:$0x3FB0] =	sst s10  }
0x35: {  	s10 =	sld [smem:$0x3FAF];
	_ =	sdelay $0x3  }
0x36: {  	p1 =	seq.s32 s10, $0x1;
	s10 =	sld [smem:$0x3FB0];
	_ =	sdelay $0x3  }
0x37: {  	[smem:$0x3FB0] =	sst s10  }
0x38: {  	s10 =	sld [smem:$0x3FB1]  }
0x39: {  	_ = 	snop;
	(pc) =	sbr.ind lr, $3  }
0x3a: {  	_ = 	snop  }
0x3b: {  	_ = 	snop  }
0x3c: {  	p2 =	seq.s32 s10, $0x1;
	s10 =	sld [smem:$0x3FB0]  }
0x3d: {  	_ =	shalt  }
0x3e: {  	_ =	shalt  }
0x3f: {  	_ =	shalt  }
0x40: {  	_ =	shalt  }
0x41: {  	_ =	shalt  }
0x42: {  	_ =	shalt  }
0x43: {  	_ =	shalt  }
0x44: {  	_ =	shalt  }
0x45: {  	_ =	shalt  }
0x46: {  	_ =	shalt  }
0x47: {  	_ =	shalt  }
0x48: {  	_ =	shalt  }
0x49: {  	_ =	shalt  }
0x4a: {  	_ =	shalt  }
0x4b: {  	_ =	shalt  }
0x4c: {  	_ =	shalt  }
0x4d: {  	_ =	shalt  }
0x4e: {  	_ =	shalt  }
0x4f: {  	_ =	shalt  }
0x50: {  	_ =	shalt  }
0x51: {  	_ =	shalt  }
0x52: {  	_ =	shalt  }
0x53: {  	_ =	shalt  }
0x54: {  	_ =	shalt  }
0x55: {  	_ =	shalt  }
0x56: {  	_ =	shalt  }
0x57: {  	_ =	shalt  }
0x58: {  	_ =	shalt  }
0x59: {  	_ =	shalt  }
0x5a: {  	_ =	shalt  }
0x5b: {  	_ =	shalt  }
0x5c: {  	_ =	shalt  }
0x5d: {  	_ =	shalt  }
0x5e: {  	_ =	shalt  }
0x5f: {  	_ =	shalt  }
0x60: {  	_ =	shalt  }
0x61: {  	_ =	shalt  }
0x62: {  	_ =	shalt  }
0x63: {  	_ =	shalt  }
0x64: {  	_ =	shalt  }
0x65: {  	_ =	shalt  }
0x66: {  	_ =	shalt  }
0x67: {  	_ =	shalt  }
0x68: {  	_ =	shalt  }
0x69: {  	_ =	shalt  }
0x6a: {  	_ =	shalt  }
0x6b: {  	_ =	shalt  }
0x6c: {  	_ =	shalt  }
0x6d: {  	_ =	shalt  }
0x6e: {  	_ =	shalt  }
0x6f: {  	_ =	shalt  }
0x70: {  	_ =	shalt  }
0x71: {  	_ =	shalt  }
0x72: {  	_ =	shalt  }
0x73: {  	_ =	shalt  }
0x74: {  	_ =	shalt  }
0x75: {  	_ =	shalt  }
0x76: {  	_ =	shalt  }
0x77: {  	_ =	shalt  }
0x78: {  	_ =	shalt  }
0x79: {  	_ =	shalt  }
0x7a: {  	_ =	shalt  }
0x7b: {  	_ =	shalt  }
0x7c: {  	_ =	shalt  }
0x7d: {  	_ =	shalt  }
0x7e: {  	_ =	shalt  }
0x7f: {  	_ =	shalt  }
0x80: {  	_ =	shalt  }
0x81: {  	_ =	shalt  }
0x82: {  	_ =	shalt  }
0x83: {  	_ =	shalt  }
0x84: {  	_ =	shalt  }
0x85: {  	_ =	shalt  }
0x86: {  	_ =	shalt  }
0x87: {  	_ =	shalt  }
.Lfunc_end0:
.L_simem_size_0:
called_computation_lowered:
.L_overlay_start_0:
0x88: {  	s2 =	sld [smem:$0x3FD9]  }
0x89: {  	s3 =	sld [smem:$0x3FFE];
	_ =	sdelay $0x1  }
0x8a: {  	s1 =	srdreg.scid  }
0x8b: {  	s0 =	sand.u32 $0x1, s1  }
0x8c: {  	s16 =	sshll.u32 s0, $0xA;
	s2 =	sadd.s32 s3, s2  }
0x8d: {  	s2 =	sadd.s32 s2, s16  }
0x8e: {  	[smem:$0x3FBC] =	sst s2  }
0x8f: {  	_ = 	snop  }
0x90: {  	(tm) =	ssettm $0x1  }
0x91: {  	s17 =	sld [smem:$0x3FFB];
	_ =	sdelay $0x3  }
0x92: {  	_ =	strace s17  }
0x93: {  	s2 =	sld [smem:$0x3FFC];
	_ =	sdelay $0x3  }
0x94: {  	_ =	strace s2  }
0x95: {  	s2 =	sld [smem:$0x3FFD];
	_ =	sdelay $0x3  }
0x96: {  	_ =	strace s2  }
0x97: {  	_ =	strace $0x8FFFFFFF  }
0x98: {  	s18 =	sld [smem:$0x3FDB];
	_ =	sdelay $0x1  }
0x99: {  	s19 =	simm.s32 $_scs_section_size  }
0x9a: {  	s4 =	simm.s32 $_size__tile_overlayer_lowered;
	s5 =	simm.s32 $_tile_overlayer_lowered  }
0x9b: {  	s22 =	simm.s32 $0x1BFF;
	s21 =	sshll.u32 s5, $0x1;
	s2 =	sadd.s32 s19, s18  }
0x9c: {  	s6 =	simm.s32 $0x0;
	s20 =	sshll.u32 s4, $0x1;
	s4 =	sadd.s32 s21, s2  }
0x9d: {  	[timem:s6], [sflag:s22] =	dma.local [hbm:s4], s20  }
0x9e: {  	_ =	swait.ge [sflag:s22], s20  }
0x9f: {  	s3 =	ssub.s32 $0x0, s20;
	[sflag:s22] =	ssyncset.done $0x0  }
0xa0: {  	[sflag:s22] =	ssyncadd.s32 s3;
	_ =	sdelay $0x1  }
0xa1: {  	s23 =	simm.s32 $0x1B8B  }
0xa2: {  	_ =	swait.ge [sflag:s23], $0x1  }
0xa3: {  	[sflag:s23] =	ssyncset.done $0x0  }
0xa4: {  	s25 =	simm.s32 $0x1B8E;
	s24 =	sld [smem:$0x3FFE];
	[sflag:s23] =	ssyncadd.s32 $0xFFFFFFFF  }
0xa5: {  	s26 =	simm.s32 $execute0_lowered;
	[smem:$0x3FD2] =	sst s25  }
0xa6: {  	s4 =	sshll.u32 s26, $0x1;
	_ =	strace $0x80000046;
	[dreg:$0x1] =	wrdreg $0xFFFFFFFF  }
0xa7: {  	s28 =	simm.s32 $_size_execute0_lowered;
	s2 =	sadd.s32 s2, s4;
	[dreg:$0x0] =	wrdreg $0x0  }
0xa8: {  	s4 =	sshll.u32 s28, $0x1;
	[dreg:$0x2] =	wrdreg s2  }
0xa9: {  	[dreg:$0x3] =	wrdreg s4  }
0xaa: {  	[dreg:$0x4] =	wrdreg $0xC0  }
0xab: {  	_ =	task [dreg:s6], $0x5FFFF  }
0xac: {  	[dreg:$0x1] =	wrdreg $0xFFFFFFFF  }
0xad: {  	[dreg:$0x0] =	wrdreg $0x60  }
0xae: {  	[dreg:$0x2] =	wrdreg s24  }
0xaf: {  	[dreg:$0x3] =	wrdreg $0x50800  }
0xb0: {  	[dreg:$0x4] =	wrdreg $0x53000  }
0xb1: {  	[dreg:$0x5] =	wrdreg $0x9  }
0xb2: {  	_ =	task.clear_ibuf [dreg:s6], $0x6FFFF;
	_ =	strace $0x90000046  }
0xb3: {  	s29 =	simm.s32 $0x9;
	_ =	strace $0x80000048  }
0xb4: {  	_ =	swait.ge [sflag:s29], $0x1  }
0xb5: {  	[sflag:s29] =	ssyncadd.s32 $0xFFFFFFFF  }
0xb6: {  	_ =	strace $0x90000048  }
0xb7: {  	_ =	sfence  }
0xb8: {  	s30 =	sld [smem:$0x0];
	_ =	sdelay $0x2  }
0xb9: {  	s31 =	sshll.u32 s1, $0xD;
	s1 =	sshrl.u32 s1, $0x2  }
0xba: {  	s3 =	sand.u32 $0x4000, s31;
	s1 =	sadd.s32 s1, s30  }
0xbb: {  	s0 =	sor.u32 s3, s0;
	s1 =	sshll.u32 s1, $0x11  }
0xbc: {  	s0 =	sor.u32 s1, s0  }
0xbd: {  	s0 =	sadd.s32 $0x8F2B, s0  }
0xbe: {  	[sflag:s0] =	ssyncadd.remote.s32 $0x1  }
0xbf: {  	_ =	sfence.sel $0xFFFF  }
0xc0: {  	[dreg:$0x0] =	wrdreg $0xFFFFFFFF;
	(pc) =	sbr.abs _section_cstart, $3  }
0xc1: {  	[dreg:$0x1] =	wrdreg $0xFFFFFFFF  }
0xc2: {  	_ =	task.clear_ibuf [dreg:s6], $0x2FFFF;
	_ =	strace $0x9FFFFFFF  }
0xc3: {  	(tm) =	ssettm $0x7FFFFFFF  }
tec
execute0_lowered:
.L_overlay_start_1:
0x0: {  	(tag) =	ssettag $0x1  }
0x1: {  	s6 =	rddreg [dreg:$0x0]  }
0x2: {  	s1 =	srdreg.scid;
	s2 =	rddreg [dreg:$0x1]  }
0x3: {  	s0 =	stileid.u32;
	s3 =	rddreg [dreg:$0x2]  }
0x4: {  	s4 =	simm.s32 $0x0;
	s12 =	simm.s32 $0x2800;
	s16 =	simm.s32 $0x80  }
0x5: {  	s17 =	simm.s32 $0x5000;
	s18 =	simm.s32 $0x20;
	s19 =	simm.s32 $0x10  }
0x6: {  	s20 =	simm.s32 $0x0;
	s5 =	sand.u32 $0x1, s1;
	s8 =	smul.u32 $0x280, s0  }
0x7: {  	s29 =	sshll.u32 s0, $0x1;
	[smem:$0x7FF] =	sst s4;
	s10 =	smul.u32 $0x500, s0  }
0x8: {  	s13 =	sshll.u32 s0, $0x6;
	s1 =	sor.u32 s5, s29;
	s9 =	smul.u32 $0x5000, s5  }
0x9: {  	s5 =	ssub.s32 $0x2, s5;
	s13 =	sor.u32 $0x1C01, s13;
	s7 =	smul.u32 $0x500, s1  }
0xa: {  	s1 =	rddreg [dreg:$0x3];
	_ =	strace $0x80000047;
	s11 =	sshrl.u32 s8, $0x3  }
0xb: {  	s31 =	sshrl.u32 s5, $0x1;
	s14 =	sadd.s32 s8, s2;
	s15 =	sadd.s32 s8, s3  }
0xc: {  	s9 =	sadd.s32 s10, s9;
	s30 =	sadd.s32 s11, s6;
	s11 =	ssub.s32 s5, s31  }
0xd: {  	s14 =	sshrl.u32 s14, $0x3;
	s15 =	sshrl.u32 s15, $0x3;
	s7 =	sadd.s32 s7, s6  }
0xe: {  	s9 =	sshrl.u32 s9, $0x3;
	s10 =	smax.u32 s11, $0x1;
	s11 =	simm.s32 $0x1  }
0xf: {  	s9 =	sadd.s32 s9, s6;
	s5 =	sadd.s32 $0x1A00, s7;
	s6 =	sadd.s32 $0xBA00, s7  }
0x10: {  	v0 =	vimm.f32 $1.000000000e+00;
	s7 =	sadd.s32 $0x15A00, s30;
	s8 =	sadd.s32 $0x16000, s9;
	s9 =	sadd.s32 $0x16010, s9  }
.LBB2_1:
0x11: {  	[tilespmem:s4], [sflag:$0x1] =	stream.linear.gather [hbm4b:s5+s4], $0x2800, $0x38;
	[tilespmem:$0x5580] =	vst v63  }
0x12: {  	_ =	swait.ge [sflag:s11], $0x2800  }
0x13: {  	[sflag:s11] =	ssyncset.done $0x0  }
0x14: {  	[sflag:s11] =	ssyncadd.s32 $0xFFFFD800  }
0x15: {  	[tilespmem:s12], [sflag:$0x1] =	stream.linear.gather [hbm4b:s6+s4], $0x2800, $0x38;
	[tilespmem:$0x5580] =	vst v63  }
0x16: {  	_ =	swait.ge [sflag:s11], $0x2800  }
0x17: {  	[sflag:s11] =	ssyncset.done $0x0  }
0x18: {  	[sflag:s11] =	ssyncadd.s32 $0xFFFFD800  }
0x19: {  	[tilespmem:$0x5000] =	vst v0  }
0x1a: {  	[tilespmem:$0x5010] =	vst v0  }
0x1b: {  	[tilespmem:$0x5020] =	vst v0  }
0x1c: {  	[tilespmem:$0x5030] =	vst v0  }
0x1d: {  	[tilespmem:$0x5040] =	vst v0  }
0x1e: {  	[tilespmem:$0x5050] =	vst v0  }
0x1f: {  	[tilespmem:$0x5060] =	vst v0  }
0x20: {  	[tilespmem:$0x5070] =	vst v0  }
0x21: {  	[spmem:s14], [sflag:s13] =	dma.local [hbm:s7], $0x50  }
0x22: {  	_ =	swait.ge [sflag:s11], $0x50  }
0x23: {  	[sflag:s11] =	ssyncset.done $0x0  }
0x24: {  	[sflag:s11] =	ssyncadd.s32 $0xFFFFFFB0  }
0x25: {  	[spmem:s15], [sflag:s13] =	dma.local [hbm:s7], $0x50  }
0x26: {  	_ =	swait.ge [sflag:s11], $0x50  }
0x27: {  	[sflag:s11] =	ssyncset.done $0x0  }
0x28: {  	[sflag:s11] =	ssyncadd.s32 $0xFFFFFFB0  }
0x29: {  	s21 =	simm.s32 $0x0;
	[bflag:$0x0] =	sbarrier.arrive $0xFFFF  }
0x2a: {  	[spmem:s2] =	stream.indirect.scatter.add.f32 [tilespmem:s17], [sflag:$0x1], $0x1, s21, s16, $0xb8;
	[tilespmem:$0x5580] =	vst v63  }
0x2b: {  	_ =	swait.ge [sflag:s11], $0x80  }
0x2c: {  	[sflag:s11] =	ssyncset.done $0x0  }
0x2d: {  	s31 =	simm.s32 $0x2800;
	[sflag:s11] =	ssyncadd.s32 $0xFFFFFF80  }
0x2e: {  	[spmem:s3] =	stream.indirect.scatter.add.f32 [tilespmem:s17], [sflag:$0x1], $0x1, s31, s16, $0xb8;
	[tilespmem:$0x5580] =	vst v63  }
0x2f: {  	_ =	swait.ge [sflag:s11], $0x80  }
0x30: {  	s22 =	simm.s32 $0x400;
	s21 =	simm.s32 $0x200;
	[sflag:s11] =	ssyncset.done $0x0  }
.LBB2_2:
0x31: {  	s23 =	sshra.s32 s21, $0x2  }
0x32: {  	[sflag:s11] =	ssyncadd.s32 $0xFFFFFF80;
	s21 =	smov.u32 s22;
	s24 =	sadd.s32 $0x200, s22  }
0x33: {  	[spmem:s2] =	stream.indirect.scatter.add.f32 [tilespmem:s17], [sflag:$0x1], $0x1, s23, s16, $0xb8;
	[tilespmem:$0x5580] =	vst v63  }
0x34: {  	p0 =	sne.s32 s22, $0x9E00;
	_ =	swait.ge [sflag:s11], $0x80  }
.Ltmp0:
0x35: {  	[sflag:s11] =	ssyncset.done $0x0;
	(pc) =	sbr.rel @p0 .LBB2_2-.Ltmp0, $4  }
0x36: {  	s22 =	sadd.s32 $0x2800, s23;
	[sflag:s11] =	ssyncadd.s32 $0xFFFFFF80  }
0x37: {  	[spmem:s3] =	stream.indirect.scatter.add.f32 [tilespmem:s17], [sflag:$0x1], $0x1, s22, s16, $0xb8;
	[tilespmem:$0x5580] =	vst v63  }
0x38: {  	_ =	swait.ge [sflag:s11], $0x80  }
0x39: {  	s22 =	smov.u32 s24;
	[sflag:s11] =	ssyncset.done $0x0  }
0x3a: {  	s21 =	sshra.s32 s21, $0x2;
	[sflag:s11] =	ssyncadd.s32 $0xFFFFFF80  }
0x3b: {  	[spmem:s2] =	stream.indirect.scatter.add.f32 [tilespmem:s17], [sflag:$0x1], $0x1, s21, s16, $0xb8;
	[tilespmem:$0x5580] =	vst v63  }
0x3c: {  	_ =	swait.ge [sflag:s11], $0x80  }
0x3d: {  	[sflag:s11] =	ssyncset.done $0x0  }
0x3e: {  	s21 =	sadd.s32 $0x2800, s21;
	[sflag:s11] =	ssyncadd.s32 $0xFFFFFF80  }
0x3f: {  	[spmem:s3] =	stream.indirect.scatter.add.f32 [tilespmem:s17], [sflag:$0x1], $0x1, s21, s16, $0xb8;
	[tilespmem:$0x5580] =	vst v63  }
0x40: {  	_ =	swait.ge [sflag:s11], $0x80  }
0x41: {  	[sflag:s11] =	ssyncset.done $0x0  }
0x42: {  	[sflag:s11] =	ssyncadd.s32 $0xFFFFFF80  }
0x43: {  	[bflag:$0x0] =	sbarrier.arrive $0xFFFF  }
0x44: {  	[hbm:s8@s18], [sflag:s13] =	dma.strided [spmem:s14@s19], $0x50, s11, $0x10   }
0x45: {  	s20 =	sadd.s32 $0x1, s20;
	_ =	swait.ge [sflag:s11], $0x50  }
0x46: {  	p0 =	sne.s32 s20, s10;
	[sflag:s11] =	ssyncset.done $0x0  }
.Ltmp1:
0x47: {  	[sflag:s11] =	ssyncadd.s32 $0xFFFFFFB0;
	(pc) =	sbr.rel @p0 .LBB2_1-.Ltmp1, $4  }
0x48: {  	[hbm:s9@s18], [sflag:s13] =	dma.strided [spmem:s15@s19], $0x50, s11, $0x10   }
0x49: {  	_ =	swait.ge [sflag:s11], $0x50  }
0x4a: {  	[sflag:s11] =	ssyncset.done $0x0  }
0x4b: {  	[sflag:s11] =	ssyncadd.s32 $0xFFFFFFB0  }
0x4c: {  	_ =	sfence.sel $0x180000  }
0x4d: {  	[bflag:$0x0] =	sbarrier.arrive $0xFFFF  }
0x4e: {  	p0 =	sne.s32 s0, $0x0;
	_ =	strace $0x90000047  }
0x4f: {  	s0 =	sadd.s32 @!p0 $0x100000, s1;
	[bflag:$0x2] =	sbarrier.arrive $0xFFFF  }
0x50: {  	[sflag:s0] =	ssyncadd.tile.s32 @!p0 $0x1;
	_ =	shalt  }
.Lfunc_end2:
_tile_overlayer_lowered:
.L_overlay_start_2:
0x51: {  	(tag) =	ssettag $0x2  }
0x52: {  	s0 =	rddreg [dreg:$0x0];
	s2 =	stileid.u32  }
0x53: {  	s1 =	rddreg [dreg:$0x1];
	p0 =	sne.s32 s2, $0x0  }
0x54: {  	s3 =	rddreg [dreg:$0x2];
	[bflag:$0x3] =	sbarrier.arrive $0xFFFF;
	s2 =	simm.s32 @!p0 $0x1C01  }
0x55: {  	[timem:s3], [sflag:s2] =	dma.local @!p0 [hbm:s0], s1  }
0x56: {  	s0 =	simm.s32 @!p0 $0x1  }
0x57: {  	_ =	swait.ge @!p0 [sflag:s0], s1  }
0x58: {  	s1 =	ssub.s32 @!p0 $0x0, s1;
	[sflag:s0] =	ssyncset.done @!p0 $0x0  }
0x59: {  	[sflag:s0] =	ssyncadd.s32 @!p0 s1  }
0x5a: {  	[bflag:$0x3] =	sbarrier.arrive $0xFFFF  }
0x5b: {  	_ =	shalt  }

// kernel: kernel.9.cloned.1.call-start
scs
__scs_entry_jumppad:
0x0: {  	(pc) =	sbr.rel $0x88, $3  }
0x1: {  	(tag) =	ssettag $0x0;
	lr =	simm.s32 $0x1  }
0x2: {  	[smem:$0x3F95] =	sst lr;
	_ =	strace $0xD0000000  }
0x3: {  	_ = 	snop  }
0x4: {  	_ = 	snop  }
0x5: {  	_ = 	snop  }
0x6: {  	_ = 	snop  }
0x7: {  	_ = 	snop  }
__scs_overlays_trampoline_lowered:
0x8: {  	[smem:$0x3FA4] =	sst s0  }
0x9: {  	[smem:$0x3FA5] =	sst s1  }
0xa: {  	[smem:$0x3FA6] =	sst s2  }
0xb: {  	[smem:$0x3FA7] =	sst s3  }
0xc: {  	[smem:$0x3FA8] =	sst s4  }
0xd: {  	[smem:$0x3FA9] =	sst s5  }
0xe: {  	[smem:$0x3FAA] =	sst s6  }
0xf: {  	[smem:$0x3FAB] =	sst s7  }
0x10: {  	[smem:$0x3FAC] =	sst s8  }
0x11: {  	[smem:$0x3FAD] =	sst s9;
	s0 =	simm.s32 @!p0 $0x0  }
0x12: {  	s1 =	sld [smem:$0x3F93];
	s0 =	simm.s32 @p0 $0x1  }
0x13: {  	[smem:$0x3FAE] =	sst s0;
	s0 =	simm.s32 @!p1 $0x0  }
0x14: {  	s2 =	sld [smem:$0x3F92];
	s0 =	simm.s32 @p1 $0x1  }
0x15: {  	[smem:$0x3FAF] =	sst s0;
	s0 =	simm.s32 @!p2 $0x0  }
0x16: {  	s3 =	sld [smem:$0x3FDB];
	s0 =	simm.s32 @p2 $0x1  }
0x17: {  	s4 =	simm.s32 $0x1BF5;
	[smem:$0x3FB1] =	sst s0  }
0x18: {  	s0 =	sld [smem:$0x3F94];
	_ =	swait.ge [sflag:s4], $0x0  }
0x19: {  	s7 =	sld [smem:$0x3F95]  }
0x1a: {  	s8 =	sadd.s32 $0xFFFFE003, lr  }
0x1b: {  	s9 =	sadd.s32 $0xFFFFFEF7, lr;
	s5 =	simm.s32 $0xFFFFFFFF;
	p2 =	slt.u32 s8, $0xFFFFF086  }
0x1c: {  	p1 =	slt.u32 s9, $0xF7A;
	s5 =	simm.s32 @!p2 $0x0  }
0x1d: {  	s5 =	simm.s32 @p1 $0x1;
	p0 =	seq.s32 s7, s2  }
0x1e: {  	s7 =	smul.u32 @!p0 $0xF7A, s2;
	p2 =	seq.s32 @!p0 s5, $0x0  }
0x1f: {  	s9 =	smul.u32 $0xF7A, s1;
	s8 =	simm.s32 @!p0 $0x1BF5;
	p2 =	por !p2, p0  }
0x20: {  	[sflag:s8] =	ssyncset.s32 @!p0 $0xFFFFF086;
	s6 =	sadd.s32 @!p0 s3, s7;
	s7 =	simm.s32 @!p0 $0x108  }
0x21: {  	s3 =	sadd.s32 s3, s9;
	s6 =	sadd.s32 @!p0 $0x88, s6;
	s7 =	simm.s32 @p2 $0x1082  }
0x22: {  	[simem:s7], [sflag:s8] =	dma.local @!p0 [hbm:s6], $0xF7A  }
0x23: {  	s9 =	sor.u32 $0xD0000000, s2;
	s6 =	simm.s32 $0x108;
	_ =	swait.ge @!p0 [sflag:s8], $0x0  }
0x24: {  	s3 =	sadd.s32 $0x88, s3;
	s6 =	simm.s32 @!p1 $0x1082;
	[sflag:s4] =	ssyncset.s32 $0xFFFFF086  }
0x25: {  	[simem:s6], [sflag:s4] =	dma.local [hbm:s3], $0xF7A  }
0x26: {  	[smem:$0x3F95] =	sst s1;
	(tag) =	ssettag s2;
	_ =	strace s9  }
0x27: {  	s1 =	sld [smem:$0x3FA5]  }
0x28: {  	s2 =	sld [smem:$0x3FA6]  }
0x29: {  	s4 =	sld [smem:$0x3FA8]  }
0x2a: {  	p0 =	seq.s32 s5, $0x0;
	s5 =	sld [smem:$0x3FA9]  }
0x2b: {  	s6 =	sld [smem:$0x3FAA]  }
0x2c: {  	s7 =	sld [smem:$0x3FAB]  }
0x2d: {  	s3 =	simm.s32 $0x108;
	s8 =	sld [smem:$0x3FAC]  }
0x2e: {  	s3 =	simm.s32 @!p0 $0x1082;
	s9 =	sld [smem:$0x3FAD]  }
0x2f: {  	lr =	sadd.s32 s0, s3;
	s0 =	sld [smem:$0x3FA4]  }
0x30: {  	s3 =	sld [smem:$0x3FA7]  }
0x31: {  	[smem:$0x3FB0] =	sst s10  }
0x32: {  	s10 =	sld [smem:$0x3FAE];
	_ =	sdelay $0x3  }
0x33: {  	p0 =	seq.s32 s10, $0x1;
	s10 =	sld [smem:$0x3FB0];
	_ =	sdelay $0x3  }
0x34: {  	[smem:$0x3FB0] =	sst s10  }
0x35: {  	s10 =	sld [smem:$0x3FAF];
	_ =	sdelay $0x3  }
0x36: {  	p1 =	seq.s32 s10, $0x1;
	s10 =	sld [smem:$0x3FB0];
	_ =	sdelay $0x3  }
0x37: {  	[smem:$0x3FB0] =	sst s10  }
0x38: {  	s10 =	sld [smem:$0x3FB1]  }
0x39: {  	_ = 	snop;
	(pc) =	sbr.ind lr, $3  }
0x3a: {  	_ = 	snop  }
0x3b: {  	_ = 	snop  }
0x3c: {  	p2 =	seq.s32 s10, $0x1;
	s10 =	sld [smem:$0x3FB0]  }
0x3d: {  	_ =	shalt  }
0x3e: {  	_ =	shalt  }
0x3f: {  	_ =	shalt  }
0x40: {  	_ =	shalt  }
0x41: {  	_ =	shalt  }
0x42: {  	_ =	shalt  }
0x43: {  	_ =	shalt  }
0x44: {  	_ =	shalt  }
0x45: {  	_ =	shalt  }
0x46: {  	_ =	shalt  }
0x47: {  	_ =	shalt  }
0x48: {  	_ =	shalt  }
0x49: {  	_ =	shalt  }
0x4a: {  	_ =	shalt  }
0x4b: {  	_ =	shalt  }
0x4c: {  	_ =	shalt  }
0x4d: {  	_ =	shalt  }
0x4e: {  	_ =	shalt  }
0x4f: {  	_ =	shalt  }
0x50: {  	_ =	shalt  }
0x51: {  	_ =	shalt  }
0x52: {  	_ =	shalt  }
0x53: {  	_ =	shalt  }
0x54: {  	_ =	shalt  }
0x55: {  	_ =	shalt  }
0x56: {  	_ =	shalt  }
0x57: {  	_ =	shalt  }
0x58: {  	_ =	shalt  }
0x59: {  	_ =	shalt  }
0x5a: {  	_ =	shalt  }
0x5b: {  	_ =	shalt  }
0x5c: {  	_ =	shalt  }
0x5d: {  	_ =	shalt  }
0x5e: {  	_ =	shalt  }
0x5f: {  	_ =	shalt  }
0x60: {  	_ =	shalt  }
0x61: {  	_ =	shalt  }
0x62: {  	_ =	shalt  }
0x63: {  	_ =	shalt  }
0x64: {  	_ =	shalt  }
0x65: {  	_ =	shalt  }
0x66: {  	_ =	shalt  }
0x67: {  	_ =	shalt  }
0x68: {  	_ =	shalt  }
0x69: {  	_ =	shalt  }
0x6a: {  	_ =	shalt  }
0x6b: {  	_ =	shalt  }
0x6c: {  	_ =	shalt  }
0x6d: {  	_ =	shalt  }
0x6e: {  	_ =	shalt  }
0x6f: {  	_ =	shalt  }
0x70: {  	_ =	shalt  }
0x71: {  	_ =	shalt  }
0x72: {  	_ =	shalt  }
0x73: {  	_ =	shalt  }
0x74: {  	_ =	shalt  }
0x75: {  	_ =	shalt  }
0x76: {  	_ =	shalt  }
0x77: {  	_ =	shalt  }
0x78: {  	_ =	shalt  }
0x79: {  	_ =	shalt  }
0x7a: {  	_ =	shalt  }
0x7b: {  	_ =	shalt  }
0x7c: {  	_ =	shalt  }
0x7d: {  	_ =	shalt  }
0x7e: {  	_ =	shalt  }
0x7f: {  	_ =	shalt  }
0x80: {  	_ =	shalt  }
0x81: {  	_ =	shalt  }
0x82: {  	_ =	shalt  }
0x83: {  	_ =	shalt  }
0x84: {  	_ =	shalt  }
0x85: {  	_ =	shalt  }
0x86: {  	_ =	shalt  }
0x87: {  	_ =	shalt  }
.Lfunc_end0:
.L_simem_size_0:
called_computation.1_lowered:
.L_overlay_start_0:
0x88: {  	s2 =	sld [smem:$0x3FD9]  }
0x89: {  	s3 =	sld [smem:$0x3FFE];
	_ =	sdelay $0x1  }
0x8a: {  	s1 =	srdreg.scid  }
0x8b: {  	s0 =	sand.u32 $0x1, s1  }
0x8c: {  	s16 =	sshll.u32 s0, $0xA;
	s2 =	sadd.s32 s3, s2  }
0x8d: {  	s2 =	sadd.s32 s2, s16  }
0x8e: {  	[smem:$0x3FBC] =	sst s2  }
0x8f: {  	_ = 	snop  }
0x90: {  	(tm) =	ssettm $0x1  }
0x91: {  	s17 =	sld [smem:$0x3FFB];
	_ =	sdelay $0x3  }
0x92: {  	_ =	strace s17  }
0x93: {  	s2 =	sld [smem:$0x3FFC];
	_ =	sdelay $0x3  }
0x94: {  	_ =	strace s2  }
0x95: {  	s2 =	sld [smem:$0x3FFD];
	_ =	sdelay $0x3  }
0x96: {  	_ =	strace s2  }
0x97: {  	_ =	strace $0x8FFFFFFF  }
0x98: {  	s18 =	sld [smem:$0x3FDB];
	_ =	sdelay $0x1  }
0x99: {  	s19 =	simm.s32 $_scs_section_size  }
0x9a: {  	s4 =	simm.s32 $_size__tile_overlayer_lowered;
	s5 =	simm.s32 $_tile_overlayer_lowered  }
0x9b: {  	s22 =	simm.s32 $0x1BFF;
	s21 =	sshll.u32 s5, $0x1;
	s2 =	sadd.s32 s19, s18  }
0x9c: {  	s6 =	simm.s32 $0x0;
	s20 =	sshll.u32 s4, $0x1;
	s4 =	sadd.s32 s21, s2  }
0x9d: {  	[timem:s6], [sflag:s22] =	dma.local [hbm:s4], s20  }
0x9e: {  	_ =	swait.ge [sflag:s22], s20  }
0x9f: {  	s3 =	ssub.s32 $0x0, s20;
	[sflag:s22] =	ssyncset.done $0x0  }
0xa0: {  	[sflag:s22] =	ssyncadd.s32 s3;
	_ =	sdelay $0x1  }
0xa1: {  	s23 =	simm.s32 $0x1B8B  }
0xa2: {  	_ =	swait.ge [sflag:s23], $0x1  }
0xa3: {  	[sflag:s23] =	ssyncset.done $0x0  }
0xa4: {  	s25 =	simm.s32 $0x1B8E;
	s24 =	sld [smem:$0x3FFE];
	[sflag:s23] =	ssyncadd.s32 $0xFFFFFFFF  }
0xa5: {  	s26 =	simm.s32 $execute0_lowered;
	[smem:$0x3FD2] =	sst s25  }
0xa6: {  	s4 =	sshll.u32 s26, $0x1;
	_ =	strace $0x80000049;
	[dreg:$0x1] =	wrdreg $0xFFFFFFFF  }
0xa7: {  	s28 =	simm.s32 $_size_execute0_lowered;
	s2 =	sadd.s32 s2, s4;
	[dreg:$0x0] =	wrdreg $0x0  }
0xa8: {  	s4 =	sshll.u32 s28, $0x1;
	[dreg:$0x2] =	wrdreg s2  }
0xa9: {  	[dreg:$0x3] =	wrdreg s4  }
0xaa: {  	[dreg:$0x4] =	wrdreg $0xC0  }
0xab: {  	_ =	task [dreg:s6], $0x5FFFF  }
0xac: {  	[dreg:$0x1] =	wrdreg $0xFFFFFFFF  }
0xad: {  	[dreg:$0x0] =	wrdreg $0x60  }
0xae: {  	[dreg:$0x2] =	wrdreg s24  }
0xaf: {  	[dreg:$0x3] =	wrdreg $0x88000  }
0xb0: {  	[dreg:$0x4] =	wrdreg $0x9  }
0xb1: {  	_ =	task.clear_ibuf [dreg:s6], $0x5FFFF;
	_ =	strace $0x90000049  }
0xb2: {  	s29 =	simm.s32 $0x9;
	_ =	strace $0x8000004B  }
0xb3: {  	_ =	swait.ge [sflag:s29], $0x1  }
0xb4: {  	[sflag:s29] =	ssyncadd.s32 $0xFFFFFFFF  }
0xb5: {  	_ =	strace $0x9000004B  }
0xb6: {  	_ =	sfence  }
0xb7: {  	s30 =	sld [smem:$0x0];
	_ =	sdelay $0x2  }
0xb8: {  	s31 =	sshll.u32 s1, $0xD;
	s1 =	sshrl.u32 s1, $0x2  }
0xb9: {  	s3 =	sand.u32 $0x4000, s31;
	s1 =	sadd.s32 s1, s30  }
0xba: {  	s0 =	sor.u32 s3, s0;
	s1 =	sshll.u32 s1, $0x11  }
0xbb: {  	s0 =	sor.u32 s1, s0  }
0xbc: {  	s0 =	sadd.s32 $0x8F2B, s0  }
0xbd: {  	[sflag:s0] =	ssyncadd.remote.s32 $0x1  }
0xbe: {  	_ =	sfence.sel $0xFFFF  }
0xbf: {  	[dreg:$0x0] =	wrdreg $0xFFFFFFFF;
	(pc) =	sbr.abs _section_cstart, $3  }
0xc0: {  	[dreg:$0x1] =	wrdreg $0xFFFFFFFF  }
0xc1: {  	_ =	task.clear_ibuf [dreg:s6], $0x2FFFF;
	_ =	strace $0x9FFFFFFF  }
0xc2: {  	(tm) =	ssettm $0x7FFFFFFF  }
0xc3: {  	_ =	shalt  }
tec
execute0_lowered:
.L_overlay_start_1:
0x0: {  	(tag) =	ssettag $0x1  }
0x1: {  	s6 =	rddreg [dreg:$0x0]  }
0x2: {  	s2 =	rddreg [dreg:$0x1]  }
0x3: {  	s1 =	srdreg.scid;
	s0 =	stileid.u32  }
0x4: {  	s14 =	simm.s32 $0x80;
	s15 =	simm.s32 $0x800;
	s16 =	simm.s32 $0x100  }
0x5: {  	s17 =	simm.s32 $0x4800;
	s18 =	simm.s32 $0xB;
	s19 =	simm.s32 $0xC  }
0x6: {  	s20 =	simm.s32 $0x0;
	s7 =	sand.u32 $0x1, s1;
	s4 =	smul.u32 $0x98, s0  }
0x7: {  	s3 =	sshll.u32 s0, $0x3;
	s1 =	rddreg [dreg:$0x2];
	s9 =	smul.u32 $0x14000, s0  }
0x8: {  	s11 =	smul.u32 $0x50000, s0;
	s12 =	sshll.u32 s0, $0x6;
	p0 =	seq.s32 s7, $0x0  }
0x9: {  	s5 =	sor.u32 $0x980, s3;
	s3 =	simm.s32 $0x0;
	s8 =	smul.u32 $0x140000, s7  }
0xa: {  	s7 =	ssub.s32 $0x2, s7;
	s12 =	sor.u32 $0x1C0D, s12;
	s5 =	smov.u32 @p0 s4  }
0xb: {  	[smem:$0x7FF] =	sst s3;
	s4 =	sadd.s32 $0x2B400, s6;
	s31 =	sshrl.u32 s7, $0x1  }
0xc: {  	s11 =	sshrl.u32 s11, $0x2;
	s5 =	sshll.u32 s5, $0x5;
	_ =	strace $0x8000004A  }
0xd: {  	s8 =	sadd.s32 s9, s8;
	s9 =	ssub.s32 s7, s31;
	s13 =	sadd.s32 s11, s2  }
0xe: {  	s11 =	simm.s32 $0xD;
	s10 =	sadd.s32 s5, s6;
	s5 =	sadd.s32 $0x1A00, s6  }
0xf: {  	s8 =	sshrl.u32 s8, $0x3;
	s9 =	smax.u32 s9, $0x1;
	s13 =	sshrl.u32 s13, $0x3  }
0x10: {  	s8 =	sadd.s32 s8, s6;
	s6 =	simm.s32 $0x98;
	s7 =	sadd.s32 $0x17400, s10  }
0x11: {  	s10 =	sadd.s32 $0x17500, s10;
	s6 =	simm.s32 @!p0 $0x8;
	s8 =	sadd.s32 $0x53400, s8  }
.LBB2_1:
0x12: {  	[tilespmem:s3], [sflag:$0xD] =	stream.linear.gather [hbm4b:s7+s3], $0x800, $0x38;
	[tilespmem:$0x1C800] =	vst v63  }
0x13: {  	_ =	swait.ge [sflag:s11], $0x800  }
0x14: {  	[sflag:s11] =	ssyncset.done $0x0  }
0x15: {  	[sflag:s11] =	ssyncadd.s32 $0xFFFFF800  }
0x16: {  	[spmem:s13], [sflag:s12] =	dma.local [hbm:s5], $0x2800  }
0x17: {  	_ =	swait.ge [sflag:s11], $0x2800  }
0x18: {  	[sflag:s11] =	ssyncset.done $0x0  }
0x19: {  	[sflag:s11] =	ssyncadd.s32 $0xFFFFD800  }
0x1a: {  	s21 =	sand.u32 $0x1, s3;
	[bflag:$0x0] =	sbarrier.arrive $0xFFFF  }
0x1b: {  	[tilespmem:s15], [sflag:$0x9] =	stream.indirect.gather [hbm4b:s4+s14], $0x80, s3, s14, $0xb8;
	[tilespmem:$0x1C800] =	vst v63  }
0x1c: {  	s25 =	sand.u32 $0x7, s3;
	s23 =	sadd.s32 $0x9, s21  }
0x1d: {  	[tilespmem:s17], [sflag:$0xA] =	stream.indirect.gather [hbm4b:s4+s14], $0x80, s16, s14, $0xb8;
	[tilespmem:$0x1C800] =	vst v63  }
0x1e: {  	p0 =	sle.u32 s6, $0x2;
	s22 =	sshll.u32 s21, $0xE;
	_ =	swait.ge [sflag:s23], $0x4000  }
0x1f: {  	s24 =	sadd.s32 $0xB, s21;
	s21 =	sshll.u32 s25, $0x8;
	[sflag:s23] =	ssyncset.done $0x0  }
0x20: {  	s22 =	sor.u32 $0x800, s22;
	s26 =	sor.u32 $0x80, s21;
	[sflag:s23] =	ssyncadd.s32 $0xFFFFC000  }
0x21: {  	[spmem:s2] =	stream.indirect.scatter.add.f32 [tilespmem:s22], [sflag:s24], $0x80, s26, s14, $0xb8;
	[tilespmem:$0x1C800] =	vst v63  }
0x22: {  	s31 =	simm.s32 $0x2;
	p1 =	por @!p0 $0x1, $0x1;
	_ =	swait.ge @!p0 [sflag:s24], $0x4000  }
0x23: {  	p1 =	por p1, p0;
	s26 =	sand.u32 $0x7, s31;
	[sflag:s24] =	ssyncset.done @!p0 $0x0  }
0x24: {  	[sflag:s24] =	ssyncadd.s32 @!p0 $0xFFFFC000;
	s24 =	sadd.s32 @!p1 $0x1, s26  }
0x25: {  	_ =	swait.ge @!p1 [sflag:s24], $0x100  }
0x26: {  	p2 =	sle.u32 @!p0 s6, $0x8;
	[sflag:s24] =	ssyncset.done @!p1 $0x0  }
0x27: {  	s26 =	sshll.u32 @!p0 s26, $0x8;
	[sflag:s24] =	ssyncadd.s32 @!p1 $0xFFFFFF00;
	s24 =	simm.s32 @!p0 $0x80  }
0x28: {  	[tilespmem:s22], [sflag:s23] =	stream.indirect.gather @!p0 [hbm4b:s4+s24], $0x80, s26, s24, $0xb8;
	[tilespmem:$0x1C800] =	vst v63  }
0x29: {  	p1 =	por p2, p0;
	p0 =	sne.s32 s6, $0x1  }
.Ltmp0:
0x2a: {  	_ = 	snop;
	(pc) =	sbr.rel @!p0 .LBB2_3-.Ltmp0, $3  }
0x2b: {  	_ =	sdelay $0x1  }
0x2c: {  	s22 =	simm.s32 $0x1;
	s24 =	sadd.s32 @!p1 $0x1, s25  }
0x2d: {  	s25 =	simm.s32 @!p1 $0x0;
	s23 =	sadd.s32 $0x20, s10;
	s26 =	smov.u32 s10  }
.LBB2_2:
0x2e: {  	[tilespmem:s21], [sflag:s24] =	stream.linear.gather @!p1 [hbm4b:s26+s25], $0x100, $0x38;
	[tilespmem:$0x1C800] =	vst v63  }
0x2f: {  	s21 =	sand.u32 $0x1, s22  }
0x30: {  	s24 =	smov.u32 s22;
	s22 =	sadd.s32 $0x1, s22;
	s25 =	sshll.u32 s21, $0xE  }
0x31: {  	s26 =	sadd.s32 $0x9, s21;
	s28 =	sadd.s32 $0xB, s21;
	s29 =	sand.u32 $0x7, s24  }
0x32: {  	s30 =	sadd.s32 $0x2, s24;
	p3 =	sne.s32 s6, s22;
	_ =	swait.ge [sflag:s26], $0x4000  }
0x33: {  	s21 =	sshll.u32 s29, $0x8;
	p0 =	sge.u32 s30, s6;
	[sflag:s26] =	ssyncset.done $0x0  }
0x34: {  	s25 =	sor.u32 $0x800, s25;
	s31 =	sor.u32 $0x80, s21;
	[sflag:s26] =	ssyncadd.s32 $0xFFFFC000  }
0x35: {  	[spmem:s2] =	stream.indirect.scatter.add.f32 [tilespmem:s25], [sflag:s28], $0x80, s31, s14, $0xb8;
	[tilespmem:$0x1C800] =	vst v63  }
0x36: {  	p1 =	slt.u32 @!p0 s24, $0x6;
	s24 =	sadd.s32 @!p0 $0x8, s24;
	_ =	swait.ge @!p0 [sflag:s28], $0x4000  }
0x37: {  	s30 =	sand.u32 $0x7, s30;
	p2 =	por p1, p0;
	[sflag:s28] =	ssyncset.done @!p0 $0x0  }
0x38: {  	[sflag:s28] =	ssyncadd.s32 @!p0 $0xFFFFC000;
	s28 =	sadd.s32 @!p2 $0x1, s30;
	s30 =	sshll.u32 @!p0 s30, $0x8  }
.Ltmp1:
0x39: {  	p1 =	sge.u32 @!p0 s24, s6;
	_ =	swait.ge @!p2 [sflag:s28], $0x100;
	(pc) =	sbr.rel @p3 .LBB2_2-.Ltmp1, $4  }
0x3a: {  	p1 =	por p1, p0;
	[sflag:s28] =	ssyncset.done @!p2 $0x0  }
0x3b: {  	s24 =	sadd.s32 @!p1 $0x1, s29;
	[sflag:s28] =	ssyncadd.s32 @!p2 $0xFFFFFF00;
	s28 =	simm.s32 @!p0 $0x80  }
0x3c: {  	[tilespmem:s25], [sflag:s26] =	stream.indirect.gather @!p0 [hbm4b:s4+s28], $0x80, s30, s28, $0xb8;
	[tilespmem:$0x1C800] =	vst v63  }
0x3d: {  	s25 =	simm.s32 @!p1 $0x0;
	s26 =	smov.u32 s23;
	s23 =	sadd.s32 $0x20, s23  }
.LBB2_3:
0x3e: {  	[tilespmem:s21], [sflag:s24] =	stream.linear.gather @!p1 [hbm4b:s26+s25], $0x100, $0x38;
	[tilespmem:$0x1C800] =	vst v63  }
0x3f: {  	_ =	swait.ge [sflag:s18], $0x4000  }
0x40: {  	[sflag:s18] =	ssyncset.done $0x0  }
0x41: {  	[sflag:s18] =	ssyncadd.s32 $0xFFFFC000  }
0x42: {  	_ =	swait.ge [sflag:s19], $0x4000  }
0x43: {  	s20 =	sadd.s32 $0x1, s20;
	[sflag:s19] =	ssyncset.done $0x0  }
0x44: {  	p0 =	sne.s32 s20, s9;
	[sflag:s19] =	ssyncadd.s32 $0xFFFFC000  }
.Ltmp2:
0x45: {  	[bflag:$0x0] =	sbarrier.arrive $0xFFFF;
	(pc) =	sbr.rel @p0 .LBB2_1-.Ltmp2, $4  }
0x46: {  	[hbm:s8], [sflag:s12] =	dma.local [spmem:s13], $0x2800  }
0x47: {  	_ =	swait.ge [sflag:s11], $0x2800  }
0x48: {  	[sflag:s11] =	ssyncset.done $0x0  }
0x49: {  	[sflag:s11] =	ssyncadd.s32 $0xFFFFD800  }
0x4a: {  	_ =	sfence.sel $0x180000  }
0x4b: {  	[bflag:$0x0] =	sbarrier.arrive $0xFFFF  }
0x4c: {  	p0 =	sne.s32 s0, $0x0;
	_ =	strace $0x9000004A  }
0x4d: {  	s0 =	sadd.s32 @!p0 $0x100000, s1;
	[bflag:$0x2] =	sbarrier.arrive $0xFFFF  }
0x4e: {  	[sflag:s0] =	ssyncadd.tile.s32 @!p0 $0x1;
	_ =	shalt  }
.Lfunc_end2:
_tile_overlayer_lowered:
.L_overlay_start_2:
0x4f: {  	(tag) =	ssettag $0x2  }
0x50: {  	s0 =	rddreg [dreg:$0x0];
	s2 =	stileid.u32  }
0x51: {  	s1 =	rddreg [dreg:$0x1];
	p0 =	sne.s32 s2, $0x0  }
0x52: {  	s3 =	rddreg [dreg:$0x2];
	[bflag:$0x3] =	sbarrier.arrive $0xFFFF;
	s2 =	simm.s32 @!p0 $0x1C0D  }
0x53: {  	[timem:s3], [sflag:s2] =	dma.local @!p0 [hbm:s0], s1  }
0x54: {  	s0 =	simm.s32 @!p0 $0xD  }
0x55: {  	_ =	swait.ge @!p0 [sflag:s0], s1  }
0x56: {  	s1 =	ssub.s32 @!p0 $0x0, s1;
	[sflag:s0] =	ssyncset.done @!p0 $0x0  }
0x57: {  	[sflag:s0] =	ssyncadd.s32 @!p0 s1  }
0x58: {  	[bflag:$0x3] =	sbarrier.arrive $0xFFFF  }
0x59: {  	_ =	shalt  }

</sc_bundles>
